<compile_context>
chip_gen: v7x
topology: tpu7x:2x2x1
jax: 0.10.2.dev20260603
libtpu: 0.0.44.dev20260713+nightly
codegen_flags: <defaults>
</compile_context>

<pallas_src>
import functools
import jax
import jax.numpy as jnp
from jax import lax
from jax.experimental import pallas as pl
from jax.experimental.pallas import tpu as pltpu
from jax.experimental.pallas import tpu_sc as plsc

_SCALE = 8.0
_IDXW = 128
_NBUF = 4
_NCOMP = 2
_G = 128
_PADW = 128


def _scale_pad_body(t_ref, o_ref):
    t = t_ref[...]
    o_ref[...] = jnp.concatenate(
        [t * _SCALE, jnp.zeros_like(t)], axis=1)


def _scale_pad_table(table):
    v, d = table.shape
    br = 1024
    grid = (v + br - 1) // br
    return pl.pallas_call(
        _scale_pad_body,
        out_shape=jax.ShapeDtypeStruct((v, 2 * d), table.dtype),
        grid=(grid,),
        in_specs=[pl.BlockSpec((br, d), lambda i: (i, 0))],
        out_specs=pl.BlockSpec((br, 2 * d), lambda i: (i, 0)),
    )(table)


@functools.cache
def _make_gather(v, d, b):
    info = plsc.get_sparse_core_info()
    nw = info.num_cores * info.num_subcores
    nc = info.num_cores
    b_per_w = b // nw
    rows_per_body = _NBUF * _G
    n_bodies = b_per_w // rows_per_body
    assert b_per_w % rows_per_body == 0
    idx_rows_per_body = _NBUF
    mesh = plsc.VectorSubcoreMesh(core_axis_name="c", subcore_axis_name="s")

    scratch = (
        [pltpu.VMEM((3, idx_rows_per_body, _IDXW), jnp.int32)]
        + [pltpu.VMEM((_G, _PADW), jnp.float32) for _ in range(_NBUF)]
        + [pltpu.VMEM((_G, d), jnp.float32) for _ in range(_NCOMP)]
        + [pltpu.SemaphoreType.DMA for _ in range(_NBUF)]
        + [pltpu.SemaphoreType.DMA for _ in range(_NCOMP)]
        + [pltpu.SemaphoreType.DMA((3,))]
    )

    @functools.partial(
        pl.kernel,
        mesh=mesh,
        out_type=jax.ShapeDtypeStruct((b, d), jnp.float32),
        scratch_types=scratch,
    )
    def gather_kernel(table_hbm, idx_hbm, out_hbm, idx_v, *bufs_and_sems):
        rows = bufs_and_sems[:_NBUF]
        comp = bufs_and_sems[_NBUF:_NBUF + _NCOMP]
        sem_g = bufs_and_sems[_NBUF + _NCOMP:2 * _NBUF + _NCOMP]
        sem_w = bufs_and_sems[2 * _NBUF + _NCOMP:2 * _NBUF + 2 * _NCOMP]
        sem_i = bufs_and_sems[2 * _NBUF + 2 * _NCOMP]
        wid = lax.axis_index("s") * nc + lax.axis_index("c")
        idx_row0 = wid * (b_per_w // _IDXW)
        out_row0 = wid * b_per_w

        def idx_chunk_copy(c, ib):
            return pltpu.make_async_copy(
                idx_hbm.at[pl.ds(idx_row0 + c * idx_rows_per_body,
                                 idx_rows_per_body)],
                idx_v.at[ib],
                sem_i.at[ib],
            )

        def write_copy(group, cc):
            return pltpu.make_async_copy(
                comp[cc],
                out_hbm.at[pl.ds(out_row0 + group * _G, _G)],
                sem_w[cc],
            )

        def repack(src, dst):
            @plsc.parallel_loop(0, _G, unroll=8)
            def _(r):
                for q in range(d // 16):
                    dst[r, pl.ds(q * 16, 16)] = src[r, pl.ds(q * 16, 16)]

        idx_chunk_copy(0, 0).start()
        idx_chunk_copy(0, 0).wait()
        idx_chunk_copy(1, 1).start()

        def body_fn(c, carry):
            ci = lax.rem(c, 3)
            @pl.when(c >= 1)
            def _():
                idx_chunk_copy(c, ci).wait()

            @pl.when(c + 2 <= n_bodies - 1)
            def _():
                idx_chunk_copy(c + 2, lax.rem(c + 2, 3)).start()

            gathers = [
                pltpu.async_copy(
                    table_hbm.at[idx_v.at[ci, bb]],
                    rows[bb],
                    sem_g[bb],
                )
                for bb in range(_NBUF)
            ]

            for bb in range(_NBUF):
                gathers[bb].wait()
                cc = bb % _NCOMP
                if bb >= _NCOMP:
                    write_copy(c * _NBUF + bb - _NCOMP, cc).wait()
                else:
                    @pl.when(c >= 1)
                    def _(cc=cc, bb=bb):
                        write_copy((c - 1) * _NBUF + bb + _NCOMP, cc).wait()
                repack(rows[bb], comp[cc])
                write_copy(c * _NBUF + bb, cc).start()
            return carry

        lax.fori_loop(0, n_bodies, body_fn, 0)

        for bb in range(_NBUF - _NCOMP, _NBUF):
            write_copy((n_bodies - 1) * _NBUF + bb, bb % _NCOMP).wait()

    return gather_kernel


def kernel(x, table):
    v, d = table.shape
    bt, s = x.shape
    b = bt * s
    scaled = _scale_pad_table(table)
    idx2d = x.reshape(b // _IDXW, _IDXW)
    out = _make_gather(v, d, b)(scaled, idx2d)
    return out.reshape(bt, s, d)

# --- scband reference (transcript-rebuilt; emitter-appended) ---
"""Pipeline reference for scband-input-embedding-90426241450578 (READ-ONLY COPY).

The authoritative reference and input builder live on the scoring server;
editing this copy changes nothing except your own understanding.
"""

import jax, jax.numpy as jnp
import numpy as np
import math

EMBED_SIZE = 64
VOCAB_SIZE = 55810
BATCH = 16384
SEQ = 200

def setup_inputs(seed: int = 0) -> dict:
    key = jax.random.key(seed)
    k1, k2 = jax.random.split(key)
    x = jax.random.randint(k1, (BATCH, SEQ), 0, VOCAB_SIZE, dtype=jnp.int64 if jax.config.jax_enable_x64 else jnp.int32)
    # nn.Embedding default init: N(0, 1)
    table = jax.random.normal(k2, (VOCAB_SIZE, EMBED_SIZE), dtype=jnp.float32)
    return {"x": x, "table": table}

def reference(x, table):
    emb = jnp.take(table, x, axis=0)
    return emb * math.sqrt(EMBED_SIZE)

if __name__ == "__main__":
    import jax
    _d = setup_inputs()
    print(jax.jit(kernel)(*tuple(_d.values())))

</pallas_src>

<mosaic_0001>
#map = affine_map<(d0, d1) -> (0, 0)>
module attributes {stable_mosaic.version = 14 : i64} {
  func.func @gather_kernel(%arg0: i32, %arg1: i32, %arg2: memref<55810x128xf32, #tpu.memory_space<hbm>>, %arg3: memref<25600x128xi32, #tpu.memory_space<hbm>>, %arg4: memref<3276800x64xf32, #tpu.memory_space<hbm>>, %arg5: memref<3x4x128xi32, #tpu.memory_space<vmem>>, %arg6: memref<128x128xf32, #tpu.memory_space<vmem>>, %arg7: memref<128x128xf32, #tpu.memory_space<vmem>>, %arg8: memref<128x128xf32, #tpu.memory_space<vmem>>, %arg9: memref<128x128xf32, #tpu.memory_space<vmem>>, %arg10: memref<128x64xf32, #tpu.memory_space<vmem>>, %arg11: memref<128x64xf32, #tpu.memory_space<vmem>>, %arg12: memref<!tpu.dma_semaphore, #tpu.memory_space<semaphore_mem>>, %arg13: memref<!tpu.dma_semaphore, #tpu.memory_space<semaphore_mem>>, %arg14: memref<!tpu.dma_semaphore, #tpu.memory_space<semaphore_mem>>, %arg15: memref<!tpu.dma_semaphore, #tpu.memory_space<semaphore_mem>>, %arg16: memref<!tpu.dma_semaphore, #tpu.memory_space<semaphore_mem>>, %arg17: memref<!tpu.dma_semaphore, #tpu.memory_space<semaphore_mem>>, %arg18: memref<3x!tpu.dma_semaphore, #tpu.memory_space<semaphore_mem>>) attributes {dimension_semantics = [#tpu.dimension_semantics<core_parallel>, #tpu.dimension_semantics<subcore_parallel>], iteration_bounds = array<i64: 2, 16>, scalar_prefetch = 0 : i64, scratch_operands = 14 : i64, tpu.core_type = #tpu.core_type<sc_vector_subcore>, window_params = [{transform_indices = #map}, {transform_indices = #map}, {transform_indices = #map}]} {
    %mul3A = arith.constant 2 : i32
    %mul3A_0 = arith.muli %arg1, %mul3A : i32
    %add3A = arith.addi %mul3A_0, %arg0 : i32
    %mul3A_1 = arith.constant 800 : i32
    %mul3A_2 = arith.muli %add3A, %mul3A_1 : i32
    %mul3A_3 = arith.constant 102400 : i32
    %mul3A_4 = arith.muli %add3A, %mul3A_3 : i32
    %add3A_5 = arith.constant 0 : i32
    %add3A_6 = arith.addi %mul3A_2, %add3A_5 : i32
    %dma_start3A = arith.constant 0 : i32
    %dma_start3A_7 = arith.constant 0 : i32
    %dma_start3A_8 = arith.constant 0 : i32
    %dma_start3A_9 = arith.constant 0 : i32
    %dma_start3A_10 = tpu.memref_slice %arg5[%dma_start3A, %dma_start3A_8, %dma_start3A_9] : memref<3x4x128xi32, #tpu.memory_space<vmem>> -> memref<1x4x128xi32, #tpu.memory_space<vmem>>
    %dma_start3A_11 = tpu.memref_squeeze %dma_start3A_10 : memref<1x4x128xi32, #tpu.memory_space<vmem>> -> memref<4x128xi32, #tpu.memory_space<vmem>>
    %dma_start3A_12 = arith.constant 0 : i32
    %dma_start3A_13 = tpu.memref_slice %arg3[%add3A_6, %dma_start3A_12] : memref<25600x128xi32, #tpu.memory_space<hbm>> -> memref<4x128xi32, #tpu.memory_space<hbm>>
    %dma_start3A_14 = tpu.memref_slice %arg18[%dma_start3A_7] : memref<3x!tpu.dma_semaphore, #tpu.memory_space<semaphore_mem>> -> memref<1x!tpu.dma_semaphore, #tpu.memory_space<semaphore_mem>>
    %dma_start3A_15 = tpu.memref_squeeze %dma_start3A_14 : memref<1x!tpu.dma_semaphore, #tpu.memory_space<semaphore_mem>> -> memref<!tpu.dma_semaphore, #tpu.memory_space<semaphore_mem>>
    %dma_start3A_16 = arith.constant 0 : i32
    %dma_start3A_17 = arith.constant 0 : i32
    %dma_start3A_18 = tpu.memref_slice %arg5[%dma_start3A, %dma_start3A_16, %dma_start3A_17] : memref<3x4x128xi32, #tpu.memory_space<vmem>> -> memref<1x4x128xi32, #tpu.memory_space<vmem>>
    %dma_start3A_19 = tpu.memref_squeeze %dma_start3A_18 : memref<1x4x128xi32, #tpu.memory_space<vmem>> -> memref<4x128xi32, #tpu.memory_space<vmem>>
    %dma_start3A_20 = arith.constant 0 : i32
    %dma_start3A_21 = tpu.memref_slice %arg3[%add3A_6, %dma_start3A_20] : memref<25600x128xi32, #tpu.memory_space<hbm>> -> memref<4x128xi32, #tpu.memory_space<hbm>>
    tpu.enqueue_dma source(%dma_start3A_21 : memref<4x128xi32, #tpu.memory_space<hbm>>) target(%dma_start3A_19 : memref<4x128xi32, #tpu.memory_space<vmem>>) target_semaphore(%dma_start3A_15 : memref<!tpu.dma_semaphore, #tpu.memory_space<semaphore_mem>>)
    %add3A_22 = arith.constant 0 : i32
    %add3A_23 = arith.addi %mul3A_2, %add3A_22 : i32
    %dma_wait3A = arith.constant 0 : i32
    %dma_wait3A_24 = arith.constant 0 : i32
    %dma_wait3A_25 = arith.constant 0 : i32
    %dma_wait3A_26 = arith.constant 0 : i32
    %dma_wait3A_27 = tpu.memref_slice %arg5[%dma_wait3A, %dma_wait3A_25, %dma_wait3A_26] : memref<3x4x128xi32, #tpu.memory_space<vmem>> -> memref<1x4x128xi32, #tpu.memory_space<vmem>>
    %dma_wait3A_28 = tpu.memref_squeeze %dma_wait3A_27 : memref<1x4x128xi32, #tpu.memory_space<vmem>> -> memref<4x128xi32, #tpu.memory_space<vmem>>
    %dma_wait3A_29 = arith.constant 0 : i32
    %dma_wait3A_30 = tpu.memref_slice %arg3[%add3A_23, %dma_wait3A_29] : memref<25600x128xi32, #tpu.memory_space<hbm>> -> memref<4x128xi32, #tpu.memory_space<hbm>>
    %dma_wait3A_31 = tpu.memref_slice %arg18[%dma_wait3A_24] : memref<3x!tpu.dma_semaphore, #tpu.memory_space<semaphore_mem>> -> memref<1x!tpu.dma_semaphore, #tpu.memory_space<semaphore_mem>>
    %dma_wait3A_32 = tpu.memref_squeeze %dma_wait3A_31 : memref<1x!tpu.dma_semaphore, #tpu.memory_space<semaphore_mem>> -> memref<!tpu.dma_semaphore, #tpu.memory_space<semaphore_mem>>
    %dma_wait3A_33 = arith.constant 0 : i32
    %dma_wait3A_34 = arith.constant 0 : i32
    %dma_wait3A_35 = tpu.memref_slice %arg5[%dma_wait3A, %dma_wait3A_33, %dma_wait3A_34] : memref<3x4x128xi32, #tpu.memory_space<vmem>> -> memref<1x4x128xi32, #tpu.memory_space<vmem>>
    %dma_wait3A_36 = tpu.memref_squeeze %dma_wait3A_35 : memref<1x4x128xi32, #tpu.memory_space<vmem>> -> memref<4x128xi32, #tpu.memory_space<vmem>>
    %dma_wait3A_37 = arith.constant 0 : i32
    %dma_wait3A_38 = tpu.memref_slice %arg3[%add3A_23, %dma_wait3A_37] : memref<25600x128xi32, #tpu.memory_space<hbm>> -> memref<4x128xi32, #tpu.memory_space<hbm>>
    tpu.wait_dma2 semaphore(%dma_wait3A_32 : memref<!tpu.dma_semaphore, #tpu.memory_space<semaphore_mem>>) src(%dma_wait3A_38 : memref<4x128xi32, #tpu.memory_space<hbm>>) dst(%dma_wait3A_36 : memref<4x128xi32, #tpu.memory_space<vmem>>)
    %add3A_39 = arith.constant 4 : i32
    %add3A_40 = arith.addi %mul3A_2, %add3A_39 : i32
    %dma_start3A_41 = arith.constant 1 : i32
    %dma_start3A_42 = arith.constant 1 : i32
    %dma_start3A_43 = arith.constant 0 : i32
    %dma_start3A_44 = arith.constant 0 : i32
    %dma_start3A_45 = tpu.memref_slice %arg5[%dma_start3A_41, %dma_start3A_43, %dma_start3A_44] : memref<3x4x128xi32, #tpu.memory_space<vmem>> -> memref<1x4x128xi32, #tpu.memory_space<vmem>>
    %dma_start3A_46 = tpu.memref_squeeze %dma_start3A_45 : memref<1x4x128xi32, #tpu.memory_space<vmem>> -> memref<4x128xi32, #tpu.memory_space<vmem>>
    %dma_start3A_47 = arith.constant 0 : i32
    %dma_start3A_48 = tpu.memref_slice %arg3[%add3A_40, %dma_start3A_47] : memref<25600x128xi32, #tpu.memory_space<hbm>> -> memref<4x128xi32, #tpu.memory_space<hbm>>
    %dma_start3A_49 = tpu.memref_slice %arg18[%dma_start3A_42] : memref<3x!tpu.dma_semaphore, #tpu.memory_space<semaphore_mem>> -> memref<1x!tpu.dma_semaphore, #tpu.memory_space<semaphore_mem>>
    %dma_start3A_50 = tpu.memref_squeeze %dma_start3A_49 : memref<1x!tpu.dma_semaphore, #tpu.memory_space<semaphore_mem>> -> memref<!tpu.dma_semaphore, #tpu.memory_space<semaphore_mem>>
    %dma_start3A_51 = arith.constant 0 : i32
    %dma_start3A_52 = arith.constant 0 : i32
    %dma_start3A_53 = tpu.memref_slice %arg5[%dma_start3A_41, %dma_start3A_51, %dma_start3A_52] : memref<3x4x128xi32, #tpu.memory_space<vmem>> -> memref<1x4x128xi32, #tpu.memory_space<vmem>>
    %dma_start3A_54 = tpu.memref_squeeze %dma_start3A_53 : memref<1x4x128xi32, #tpu.memory_space<vmem>> -> memref<4x128xi32, #tpu.memory_space<vmem>>
    %dma_start3A_55 = arith.constant 0 : i32
    %dma_start3A_56 = tpu.memref_slice %arg3[%add3A_40, %dma_start3A_55] : memref<25600x128xi32, #tpu.memory_space<hbm>> -> memref<4x128xi32, #tpu.memory_space<hbm>>
    tpu.enqueue_dma source(%dma_start3A_56 : memref<4x128xi32, #tpu.memory_space<hbm>>) target(%dma_start3A_54 : memref<4x128xi32, #tpu.memory_space<vmem>>) target_semaphore(%dma_start3A_50 : memref<!tpu.dma_semaphore, #tpu.memory_space<semaphore_mem>>)
    %scan3A = arith.constant 0 : i32
    %scan3A_57 = arith.constant 0 : i32
    %scan3A_58 = arith.constant 200 : i32
    %scan3A_59 = arith.addi %scan3A_57, %scan3A_58 : i32
    %scan3A_60 = arith.constant 1 : i32
    scf.for %scan3A_74 = %scan3A_57 to %scan3A_59 step %scan3A_60  : i32 {
      %rem3A = arith.constant 3 : i32
      %rem3A_75 = arith.remsi %scan3A_74, %rem3A : i32
      %ge3A = arith.constant 1 : i32
      %ge3A_76 = arith.cmpi sge, %scan3A_74, %ge3A : i32
      %convert_element_type3A = arith.extui %ge3A_76 : i1 to i32
      %cond3A = arith.constant 0 : i32
      %cond3A_77 = arith.cmpi ne, %convert_element_type3A, %cond3A : i32
      scf.if %cond3A_77 {
        %mul3A_230 = arith.constant 4 : i32
        %mul3A_231 = arith.muli %scan3A_74, %mul3A_230 : i32
        %add3A_232 = arith.addi %mul3A_2, %mul3A_231 : i32
        %dma_wait3A_233 = arith.constant 0 : i32
        %dma_wait3A_234 = arith.constant 0 : i32
        %dma_wait3A_235 = tpu.memref_slice %arg5[%rem3A_75, %dma_wait3A_233, %dma_wait3A_234] : memref<3x4x128xi32, #tpu.memory_space<vmem>> -> memref<1x4x128xi32, #tpu.memory_space<vmem>>
        %dma_wait3A_236 = tpu.memref_squeeze %dma_wait3A_235 : memref<1x4x128xi32, #tpu.memory_space<vmem>> -> memref<4x128xi32, #tpu.memory_space<vmem>>
        %dma_wait3A_237 = arith.constant 0 : i32
        %dma_wait3A_238 = tpu.memref_slice %arg3[%add3A_232, %dma_wait3A_237] : memref<25600x128xi32, #tpu.memory_space<hbm>> -> memref<4x128xi32, #tpu.memory_space<hbm>>
        %dma_wait3A_239 = tpu.memref_slice %arg18[%rem3A_75] : memref<3x!tpu.dma_semaphore, #tpu.memory_space<semaphore_mem>> -> memref<1x!tpu.dma_semaphore, #tpu.memory_space<semaphore_mem>>
        %dma_wait3A_240 = tpu.memref_squeeze %dma_wait3A_239 : memref<1x!tpu.dma_semaphore, #tpu.memory_space<semaphore_mem>> -> memref<!tpu.dma_semaphore, #tpu.memory_space<semaphore_mem>>
        %dma_wait3A_241 = arith.constant 0 : i32
        %dma_wait3A_242 = arith.constant 0 : i32
        %dma_wait3A_243 = tpu.memref_slice %arg5[%rem3A_75, %dma_wait3A_241, %dma_wait3A_242] : memref<3x4x128xi32, #tpu.memory_space<vmem>> -> memref<1x4x128xi32, #tpu.memory_space<vmem>>
        %dma_wait3A_244 = tpu.memref_squeeze %dma_wait3A_243 : memref<1x4x128xi32, #tpu.memory_space<vmem>> -> memref<4x128xi32, #tpu.memory_space<vmem>>
        %dma_wait3A_245 = arith.constant 0 : i32
        %dma_wait3A_246 = tpu.memref_slice %arg3[%add3A_232, %dma_wait3A_245] : memref<25600x128xi32, #tpu.memory_space<hbm>> -> memref<4x128xi32, #tpu.memory_space<hbm>>
        tpu.wait_dma2 semaphore(%dma_wait3A_240 : memref<!tpu.dma_semaphore, #tpu.memory_space<semaphore_mem>>) src(%dma_wait3A_246 : memref<4x128xi32, #tpu.memory_space<hbm>>) dst(%dma_wait3A_244 : memref<4x128xi32, #tpu.memory_space<vmem>>)
      } else {
      }
      %add3A_78 = arith.constant 2 : i32
      %add3A_79 = arith.addi %scan3A_74, %add3A_78 : i32
      %le3A = arith.constant 199 : i32
      %le3A_80 = arith.cmpi sle, %add3A_79, %le3A : i32
      %convert_element_type3A_81 = arith.extui %le3A_80 : i1 to i32
      %cond3A_82 = arith.constant 0 : i32
      %cond3A_83 = arith.cmpi ne, %convert_element_type3A_81, %cond3A_82 : i32
      scf.if %cond3A_83 {
        %add3A_230 = arith.constant 2 : i32
        %add3A_231 = arith.addi %scan3A_74, %add3A_230 : i32
        %add3A_232 = arith.constant 2 : i32
        %add3A_233 = arith.addi %scan3A_74, %add3A_232 : i32
        %rem3A_234 = arith.constant 3 : i32
        %rem3A_235 = arith.remsi %add3A_233, %rem3A_234 : i32
        %mul3A_236 = arith.constant 4 : i32
        %mul3A_237 = arith.muli %add3A_231, %mul3A_236 : i32
        %add3A_238 = arith.addi %mul3A_2, %mul3A_237 : i32
        %dma_start3A_239 = arith.constant 0 : i32
        %dma_start3A_240 = arith.constant 0 : i32
        %dma_start3A_241 = tpu.memref_slice %arg5[%rem3A_235, %dma_start3A_239, %dma_start3A_240] : memref<3x4x128xi32, #tpu.memory_space<vmem>> -> memref<1x4x128xi32, #tpu.memory_space<vmem>>
        %dma_start3A_242 = tpu.memref_squeeze %dma_start3A_241 : memref<1x4x128xi32, #tpu.memory_space<vmem>> -> memref<4x128xi32, #tpu.memory_space<vmem>>
        %dma_start3A_243 = arith.constant 0 : i32
        %dma_start3A_244 = tpu.memref_slice %arg3[%add3A_238, %dma_start3A_243] : memref<25600x128xi32, #tpu.memory_space<hbm>> -> memref<4x128xi32, #tpu.memory_space<hbm>>
        %dma_start3A_245 = tpu.memref_slice %arg18[%rem3A_235] : memref<3x!tpu.dma_semaphore, #tpu.memory_space<semaphore_mem>> -> memref<1x!tpu.dma_semaphore, #tpu.memory_space<semaphore_mem>>
        %dma_start3A_246 = tpu.memref_squeeze %dma_start3A_245 : memref<1x!tpu.dma_semaphore, #tpu.memory_space<semaphore_mem>> -> memref<!tpu.dma_semaphore, #tpu.memory_space<semaphore_mem>>
        %dma_start3A_247 = arith.constant 0 : i32
        %dma_start3A_248 = arith.constant 0 : i32
        %dma_start3A_249 = tpu.memref_slice %arg5[%rem3A_235, %dma_start3A_247, %dma_start3A_248] : memref<3x4x128xi32, #tpu.memory_space<vmem>> -> memref<1x4x128xi32, #tpu.memory_space<vmem>>
        %dma_start3A_250 = tpu.memref_squeeze %dma_start3A_249 : memref<1x4x128xi32, #tpu.memory_space<vmem>> -> memref<4x128xi32, #tpu.memory_space<vmem>>
        %dma_start3A_251 = arith.constant 0 : i32
        %dma_start3A_252 = tpu.memref_slice %arg3[%add3A_238, %dma_start3A_251] : memref<25600x128xi32, #tpu.memory_space<hbm>> -> memref<4x128xi32, #tpu.memory_space<hbm>>
        tpu.enqueue_dma source(%dma_start3A_252 : memref<4x128xi32, #tpu.memory_space<hbm>>) target(%dma_start3A_250 : memref<4x128xi32, #tpu.memory_space<vmem>>) target_semaphore(%dma_start3A_246 : memref<!tpu.dma_semaphore, #tpu.memory_space<semaphore_mem>>)
      } else {
      }
      %dma_start3A_84 = arith.constant 0 : i32
      %dma_start3A_85 = arith.constant 0 : i32
      %dma_start3A_86 = tpu.memref_slice %arg5[%rem3A_75, %dma_start3A_84, %dma_start3A_85] : memref<3x4x128xi32, #tpu.memory_space<vmem>> -> memref<1x1x128xi32, #tpu.memory_space<vmem>>
      %dma_start3A_87 = tpu.memref_squeeze %dma_start3A_86 : memref<1x1x128xi32, #tpu.memory_space<vmem>> -> memref<128xi32, #tpu.memory_space<vmem>>
      %dma_start3A_88 = arith.constant 0 : i32
      %dma_start3A_89 = arith.constant 0 : i32
      %dma_start3A_90 = tpu.memref_slice %arg2[%dma_start3A_88, %dma_start3A_89] : memref<55810x128xf32, #tpu.memory_space<hbm>> -> memref<55810x128xf32, #tpu.memory_space<hbm>>
      tpu.enqueue_indirect_dma source(%dma_start3A_90 : memref<55810x128xf32, #tpu.memory_space<hbm>>) target(%arg6 : memref<128x128xf32, #tpu.memory_space<vmem>>) offsets(%dma_start3A_87 : memref<128xi32, #tpu.memory_space<vmem>>) semaphore(%arg12 : memref<!tpu.dma_semaphore, #tpu.memory_space<semaphore_mem>>)
      %dma_start3A_91 = arith.constant 1 : i32
      %dma_start3A_92 = arith.constant 0 : i32
      %dma_start3A_93 = tpu.memref_slice %arg5[%rem3A_75, %dma_start3A_91, %dma_start3A_92] : memref<3x4x128xi32, #tpu.memory_space<vmem>> -> memref<1x1x128xi32, #tpu.memory_space<vmem>>
      %dma_start3A_94 = tpu.memref_squeeze %dma_start3A_93 : memref<1x1x128xi32, #tpu.memory_space<vmem>> -> memref<128xi32, #tpu.memory_space<vmem>>
      %dma_start3A_95 = arith.constant 0 : i32
      %dma_start3A_96 = arith.constant 0 : i32
      %dma_start3A_97 = tpu.memref_slice %arg2[%dma_start3A_95, %dma_start3A_96] : memref<55810x128xf32, #tpu.memory_space<hbm>> -> memref<55810x128xf32, #tpu.memory_space<hbm>>
      tpu.enqueue_indirect_dma source(%dma_start3A_97 : memref<55810x128xf32, #tpu.memory_space<hbm>>) target(%arg7 : memref<128x128xf32, #tpu.memory_space<vmem>>) offsets(%dma_start3A_94 : memref<128xi32, #tpu.memory_space<vmem>>) semaphore(%arg13 : memref<!tpu.dma_semaphore, #tpu.memory_space<semaphore_mem>>)
      %dma_start3A_98 = arith.constant 2 : i32
      %dma_start3A_99 = arith.constant 0 : i32
      %dma_start3A_100 = tpu.memref_slice %arg5[%rem3A_75, %dma_start3A_98, %dma_start3A_99] : memref<3x4x128xi32, #tpu.memory_space<vmem>> -> memref<1x1x128xi32, #tpu.memory_space<vmem>>
      %dma_start3A_101 = tpu.memref_squeeze %dma_start3A_100 : memref<1x1x128xi32, #tpu.memory_space<vmem>> -> memref<128xi32, #tpu.memory_space<vmem>>
      %dma_start3A_102 = arith.constant 0 : i32
      %dma_start3A_103 = arith.constant 0 : i32
      %dma_start3A_104 = tpu.memref_slice %arg2[%dma_start3A_102, %dma_start3A_103] : memref<55810x128xf32, #tpu.memory_space<hbm>> -> memref<55810x128xf32, #tpu.memory_space<hbm>>
      tpu.enqueue_indirect_dma source(%dma_start3A_104 : memref<55810x128xf32, #tpu.memory_space<hbm>>) target(%arg8 : memref<128x128xf32, #tpu.memory_space<vmem>>) offsets(%dma_start3A_101 : memref<128xi32, #tpu.memory_space<vmem>>) semaphore(%arg14 : memref<!tpu.dma_semaphore, #tpu.memory_space<semaphore_mem>>)
      %dma_start3A_105 = arith.constant 3 : i32
      %dma_start3A_106 = arith.constant 0 : i32
      %dma_start3A_107 = tpu.memref_slice %arg5[%rem3A_75, %dma_start3A_105, %dma_start3A_106] : memref<3x4x128xi32, #tpu.memory_space<vmem>> -> memref<1x1x128xi32, #tpu.memory_space<vmem>>
      %dma_start3A_108 = tpu.memref_squeeze %dma_start3A_107 : memref<1x1x128xi32, #tpu.memory_space<vmem>> -> memref<128xi32, #tpu.memory_space<vmem>>
      %dma_start3A_109 = arith.constant 0 : i32
      %dma_start3A_110 = arith.constant 0 : i32
      %dma_start3A_111 = tpu.memref_slice %arg2[%dma_start3A_109, %dma_start3A_110] : memref<55810x128xf32, #tpu.memory_space<hbm>> -> memref<55810x128xf32, #tpu.memory_space<hbm>>
      tpu.enqueue_indirect_dma source(%dma_start3A_111 : memref<55810x128xf32, #tpu.memory_space<hbm>>) target(%arg9 : memref<128x128xf32, #tpu.memory_space<vmem>>) offsets(%dma_start3A_108 : memref<128xi32, #tpu.memory_space<vmem>>) semaphore(%arg15 : memref<!tpu.dma_semaphore, #tpu.memory_space<semaphore_mem>>)
      %dma_wait3A_112 = arith.constant 0 : i32
      %dma_wait3A_113 = arith.constant 0 : i32
      %dma_wait3A_114 = tpu.memref_slice %arg5[%rem3A_75, %dma_wait3A_112, %dma_wait3A_113] : memref<3x4x128xi32, #tpu.memory_space<vmem>> -> memref<1x1x128xi32, #tpu.memory_space<vmem>>
      %dma_wait3A_115 = tpu.memref_squeeze %dma_wait3A_114 : memref<1x1x128xi32, #tpu.memory_space<vmem>> -> memref<128xi32, #tpu.memory_space<vmem>>
      %dma_wait3A_116 = arith.constant 0 : i32
      %dma_wait3A_117 = arith.constant 0 : i32
      %dma_wait3A_118 = tpu.memref_slice %arg2[%dma_wait3A_116, %dma_wait3A_117] : memref<55810x128xf32, #tpu.memory_space<hbm>> -> memref<55810x128xf32, #tpu.memory_space<hbm>>
      tpu.wait_indirect_dma semaphore(%arg12 : memref<!tpu.dma_semaphore, #tpu.memory_space<semaphore_mem>>) src(%dma_wait3A_118 : memref<55810x128xf32, #tpu.memory_space<hbm>>) dst(%arg6 : memref<128x128xf32, #tpu.memory_space<vmem>>)
      %ge3A_119 = arith.constant 1 : i32
      %ge3A_120 = arith.cmpi sge, %scan3A_74, %ge3A_119 : i32
      %convert_element_type3A_121 = arith.extui %ge3A_120 : i1 to i32
      %cond3A_122 = arith.constant 0 : i32
      %cond3A_123 = arith.cmpi ne, %convert_element_type3A_121, %cond3A_122 : i32
      scf.if %cond3A_123 {
        %sub3A_230 = arith.constant 1 : i32
        %sub3A_231 = arith.subi %scan3A_74, %sub3A_230 : i32
        %mul3A_232 = arith.constant 4 : i32
        %mul3A_233 = arith.muli %sub3A_231, %mul3A_232 : i32
        %add3A_234 = arith.constant 0 : i32
        %add3A_235 = arith.addi %mul3A_233, %add3A_234 : i32
        %add3A_236 = arith.constant 2 : i32
        %add3A_237 = arith.addi %add3A_235, %add3A_236 : i32
        %mul3A_238 = arith.constant 128 : i32
        %mul3A_239 = arith.muli %add3A_237, %mul3A_238 : i32
        %add3A_240 = arith.addi %mul3A_4, %mul3A_239 : i32
        %dma_wait3A_241 = arith.constant 0 : i32
        %dma_wait3A_242 = tpu.memref_slice %arg4[%add3A_240, %dma_wait3A_241] : memref<3276800x64xf32, #tpu.memory_space<hbm>> -> memref<128x64xf32, #tpu.memory_space<hbm>>
        %dma_wait3A_243 = arith.constant 0 : i32
        %dma_wait3A_244 = tpu.memref_slice %arg4[%add3A_240, %dma_wait3A_243] : memref<3276800x64xf32, #tpu.memory_space<hbm>> -> memref<128x64xf32, #tpu.memory_space<hbm>>
        tpu.wait_dma2 semaphore(%arg16 : memref<!tpu.dma_semaphore, #tpu.memory_space<semaphore_mem>>) src(%arg10 : memref<128x64xf32, #tpu.memory_space<vmem>>) dst(%dma_wait3A_244 : memref<128x64xf32, #tpu.memory_space<hbm>>)
      } else {
      }
      %parallel_loop3A = arith.constant 0 : i32
      %parallel_loop3A_124 = arith.constant 128 : i32
      %parallel_loop3A_125 = arith.constant 1 : i32
      scf.for %parallel_loop3A_230 = %parallel_loop3A to %parallel_loop3A_124 step %parallel_loop3A_125  : i32 {
        %parallel_loop3A_231 = arith.index_cast %parallel_loop3A_230 : i32 to index
        %parallel_loop3A_232 = arith.constant 0 : index
        %parallel_loop3A_233 = tpu.vector_load %arg6[%parallel_loop3A_231, %parallel_loop3A_232] {strides = array<i32>} : memref<128x128xf32, #tpu.memory_space<vmem>>, vector<1x16xf32>,
        %parallel_loop3A_234 = vector.shape_cast %parallel_loop3A_233 : vector<1x16xf32> to vector<16xf32>
        %parallel_loop3A_235 = arith.index_cast %parallel_loop3A_230 : i32 to index
        %parallel_loop3A_236 = arith.constant 0 : index
        %parallel_loop3A_237 = tpu.vector_load %arg10[%parallel_loop3A_235, %parallel_loop3A_236] {strides = array<i32>} : memref<128x64xf32, #tpu.memory_space<vmem>>, vector<1x16xf32>,
        %parallel_loop3A_238 = vector.shape_cast %parallel_loop3A_237 : vector<1x16xf32> to vector<16xf32>
        %parallel_loop3A_239 = vector.shape_cast %parallel_loop3A_234 : vector<16xf32> to vector<1x16xf32>
        tpu.vector_store %arg10[%parallel_loop3A_235, %parallel_loop3A_236], %parallel_loop3A_239 {strides = array<i32>} : memref<128x64xf32, #tpu.memory_space<vmem>>, vector<1x16xf32>,
        %parallel_loop3A_240 = arith.index_cast %parallel_loop3A_230 : i32 to index
        %parallel_loop3A_241 = arith.constant 16 : index
        %parallel_loop3A_242 = tpu.vector_load %arg6[%parallel_loop3A_240, %parallel_loop3A_241] {strides = array<i32>} : memref<128x128xf32, #tpu.memory_space<vmem>>, vector<1x16xf32>,
        %parallel_loop3A_243 = vector.shape_cast %parallel_loop3A_242 : vector<1x16xf32> to vector<16xf32>
        %parallel_loop3A_244 = arith.index_cast %parallel_loop3A_230 : i32 to index
        %parallel_loop3A_245 = arith.constant 16 : index
        %parallel_loop3A_246 = tpu.vector_load %arg10[%parallel_loop3A_244, %parallel_loop3A_245] {strides = array<i32>} : memref<128x64xf32, #tpu.memory_space<vmem>>, vector<1x16xf32>,
        %parallel_loop3A_247 = vector.shape_cast %parallel_loop3A_246 : vector<1x16xf32> to vector<16xf32>
        %parallel_loop3A_248 = vector.shape_cast %parallel_loop3A_243 : vector<16xf32> to vector<1x16xf32>
        tpu.vector_store %arg10[%parallel_loop3A_244, %parallel_loop3A_245], %parallel_loop3A_248 {strides = array<i32>} : memref<128x64xf32, #tpu.memory_space<vmem>>, vector<1x16xf32>,
        %parallel_loop3A_249 = arith.index_cast %parallel_loop3A_230 : i32 to index
        %parallel_loop3A_250 = arith.constant 32 : index
        %parallel_loop3A_251 = tpu.vector_load %arg6[%parallel_loop3A_249, %parallel_loop3A_250] {strides = array<i32>} : memref<128x128xf32, #tpu.memory_space<vmem>>, vector<1x16xf32>,
        %parallel_loop3A_252 = vector.shape_cast %parallel_loop3A_251 : vector<1x16xf32> to vector<16xf32>
        %parallel_loop3A_253 = arith.index_cast %parallel_loop3A_230 : i32 to index
        %parallel_loop3A_254 = arith.constant 32 : index
        %parallel_loop3A_255 = tpu.vector_load %arg10[%parallel_loop3A_253, %parallel_loop3A_254] {strides = array<i32>} : memref<128x64xf32, #tpu.memory_space<vmem>>, vector<1x16xf32>,
        %parallel_loop3A_256 = vector.shape_cast %parallel_loop3A_255 : vector<1x16xf32> to vector<16xf32>
        %parallel_loop3A_257 = vector.shape_cast %parallel_loop3A_252 : vector<16xf32> to vector<1x16xf32>
        tpu.vector_store %arg10[%parallel_loop3A_253, %parallel_loop3A_254], %parallel_loop3A_257 {strides = array<i32>} : memref<128x64xf32, #tpu.memory_space<vmem>>, vector<1x16xf32>,
        %parallel_loop3A_258 = arith.index_cast %parallel_loop3A_230 : i32 to index
        %parallel_loop3A_259 = arith.constant 48 : index
        %parallel_loop3A_260 = tpu.vector_load %arg6[%parallel_loop3A_258, %parallel_loop3A_259] {strides = array<i32>} : memref<128x128xf32, #tpu.memory_space<vmem>>, vector<1x16xf32>,
        %parallel_loop3A_261 = vector.shape_cast %parallel_loop3A_260 : vector<1x16xf32> to vector<16xf32>
        %parallel_loop3A_262 = arith.index_cast %parallel_loop3A_230 : i32 to index
        %parallel_loop3A_263 = arith.constant 48 : index
        %parallel_loop3A_264 = tpu.vector_load %arg10[%parallel_loop3A_262, %parallel_loop3A_263] {strides = array<i32>} : memref<128x64xf32, #tpu.memory_space<vmem>>, vector<1x16xf32>,
        %parallel_loop3A_265 = vector.shape_cast %parallel_loop3A_264 : vector<1x16xf32> to vector<16xf32>
        %parallel_loop3A_266 = vector.shape_cast %parallel_loop3A_261 : vector<16xf32> to vector<1x16xf32>
        tpu.vector_store %arg10[%parallel_loop3A_262, %parallel_loop3A_263], %parallel_loop3A_266 {strides = array<i32>} : memref<128x64xf32, #tpu.memory_space<vmem>>, vector<1x16xf32>,
      } {sc.loop_unroll_factor = 8 : i64, sc.parallel_access}
      %mul3A_126 = arith.constant 4 : i32
      %mul3A_127 = arith.muli %scan3A_74, %mul3A_126 : i32
      %add3A_128 = arith.constant 0 : i32
      %add3A_129 = arith.addi %mul3A_127, %add3A_128 : i32
      %mul3A_130 = arith.constant 128 : i32
      %mul3A_131 = arith.muli %add3A_129, %mul3A_130 : i32
      %add3A_132 = arith.addi %mul3A_4, %mul3A_131 : i32
      %dma_start3A_133 = arith.constant 0 : i32
      %dma_start3A_134 = tpu.memref_slice %arg4[%add3A_132, %dma_start3A_133] : memref<3276800x64xf32, #tpu.memory_space<hbm>> -> memref<128x64xf32, #tpu.memory_space<hbm>>
      %dma_start3A_135 = arith.constant 0 : i32
      %dma_start3A_136 = tpu.memref_slice %arg4[%add3A_132, %dma_start3A_135] : memref<3276800x64xf32, #tpu.memory_space<hbm>> -> memref<128x64xf32, #tpu.memory_space<hbm>>
      tpu.enqueue_dma source(%arg10 : memref<128x64xf32, #tpu.memory_space<vmem>>) target(%dma_start3A_136 : memref<128x64xf32, #tpu.memory_space<hbm>>) target_semaphore(%arg16 : memref<!tpu.dma_semaphore, #tpu.memory_space<semaphore_mem>>)
      %dma_wait3A_137 = arith.constant 1 : i32
      %dma_wait3A_138 = arith.constant 0 : i32
      %dma_wait3A_139 = tpu.memref_slice %arg5[%rem3A_75, %dma_wait3A_137, %dma_wait3A_138] : memref<3x4x128xi32, #tpu.memory_space<vmem>> -> memref<1x1x128xi32, #tpu.memory_space<vmem>>
      %dma_wait3A_140 = tpu.memref_squeeze %dma_wait3A_139 : memref<1x1x128xi32, #tpu.memory_space<vmem>> -> memref<128xi32, #tpu.memory_space<vmem>>
      %dma_wait3A_141 = arith.constant 0 : i32
      %dma_wait3A_142 = arith.constant 0 : i32
      %dma_wait3A_143 = tpu.memref_slice %arg2[%dma_wait3A_141, %dma_wait3A_142] : memref<55810x128xf32, #tpu.memory_space<hbm>> -> memref<55810x128xf32, #tpu.memory_space<hbm>>
      tpu.wait_indirect_dma semaphore(%arg13 : memref<!tpu.dma_semaphore, #tpu.memory_space<semaphore_mem>>) src(%dma_wait3A_143 : memref<55810x128xf32, #tpu.memory_space<hbm>>) dst(%arg7 : memref<128x128xf32, #tpu.memory_space<vmem>>)
      %ge3A_144 = arith.constant 1 : i32
      %ge3A_145 = arith.cmpi sge, %scan3A_74, %ge3A_144 : i32
      %convert_element_type3A_146 = arith.extui %ge3A_145 : i1 to i32
      %cond3A_147 = arith.constant 0 : i32
      %cond3A_148 = arith.cmpi ne, %convert_element_type3A_146, %cond3A_147 : i32
      scf.if %cond3A_148 {
        %sub3A_230 = arith.constant 1 : i32
        %sub3A_231 = arith.subi %scan3A_74, %sub3A_230 : i32
        %mul3A_232 = arith.constant 4 : i32
        %mul3A_233 = arith.muli %sub3A_231, %mul3A_232 : i32
        %add3A_234 = arith.constant 1 : i32
        %add3A_235 = arith.addi %mul3A_233, %add3A_234 : i32
        %add3A_236 = arith.constant 2 : i32
        %add3A_237 = arith.addi %add3A_235, %add3A_236 : i32
        %mul3A_238 = arith.constant 128 : i32
        %mul3A_239 = arith.muli %add3A_237, %mul3A_238 : i32
        %add3A_240 = arith.addi %mul3A_4, %mul3A_239 : i32
        %dma_wait3A_241 = arith.constant 0 : i32
        %dma_wait3A_242 = tpu.memref_slice %arg4[%add3A_240, %dma_wait3A_241] : memref<3276800x64xf32, #tpu.memory_space<hbm>> -> memref<128x64xf32, #tpu.memory_space<hbm>>
        %dma_wait3A_243 = arith.constant 0 : i32
        %dma_wait3A_244 = tpu.memref_slice %arg4[%add3A_240, %dma_wait3A_243] : memref<3276800x64xf32, #tpu.memory_space<hbm>> -> memref<128x64xf32, #tpu.memory_space<hbm>>
        tpu.wait_dma2 semaphore(%arg17 : memref<!tpu.dma_semaphore, #tpu.memory_space<semaphore_mem>>) src(%arg11 : memref<128x64xf32, #tpu.memory_space<vmem>>) dst(%dma_wait3A_244 : memref<128x64xf32, #tpu.memory_space<hbm>>)
      } else {
      }
      %parallel_loop3A_149 = arith.constant 0 : i32
      %parallel_loop3A_150 = arith.constant 128 : i32
      %parallel_loop3A_151 = arith.constant 1 : i32
      scf.for %parallel_loop3A_230 = %parallel_loop3A_149 to %parallel_loop3A_150 step %parallel_loop3A_151  : i32 {
        %parallel_loop3A_231 = arith.index_cast %parallel_loop3A_230 : i32 to index
        %parallel_loop3A_232 = arith.constant 0 : index
        %parallel_loop3A_233 = tpu.vector_load %arg7[%parallel_loop3A_231, %parallel_loop3A_232] {strides = array<i32>} : memref<128x128xf32, #tpu.memory_space<vmem>>, vector<1x16xf32>,
        %parallel_loop3A_234 = vector.shape_cast %parallel_loop3A_233 : vector<1x16xf32> to vector<16xf32>
        %parallel_loop3A_235 = arith.index_cast %parallel_loop3A_230 : i32 to index
        %parallel_loop3A_236 = arith.constant 0 : index
        %parallel_loop3A_237 = tpu.vector_load %arg11[%parallel_loop3A_235, %parallel_loop3A_236] {strides = array<i32>} : memref<128x64xf32, #tpu.memory_space<vmem>>, vector<1x16xf32>,
        %parallel_loop3A_238 = vector.shape_cast %parallel_loop3A_237 : vector<1x16xf32> to vector<16xf32>
        %parallel_loop3A_239 = vector.shape_cast %parallel_loop3A_234 : vector<16xf32> to vector<1x16xf32>
        tpu.vector_store %arg11[%parallel_loop3A_235, %parallel_loop3A_236], %parallel_loop3A_239 {strides = array<i32>} : memref<128x64xf32, #tpu.memory_space<vmem>>, vector<1x16xf32>,
        %parallel_loop3A_240 = arith.index_cast %parallel_loop3A_230 : i32 to index
        %parallel_loop3A_241 = arith.constant 16 : index
        %parallel_loop3A_242 = tpu.vector_load %arg7[%parallel_loop3A_240, %parallel_loop3A_241] {strides = array<i32>} : memref<128x128xf32, #tpu.memory_space<vmem>>, vector<1x16xf32>,
        %parallel_loop3A_243 = vector.shape_cast %parallel_loop3A_242 : vector<1x16xf32> to vector<16xf32>
        %parallel_loop3A_244 = arith.index_cast %parallel_loop3A_230 : i32 to index
        %parallel_loop3A_245 = arith.constant 16 : index
        %parallel_loop3A_246 = tpu.vector_load %arg11[%parallel_loop3A_244, %parallel_loop3A_245] {strides = array<i32>} : memref<128x64xf32, #tpu.memory_space<vmem>>, vector<1x16xf32>,
        %parallel_loop3A_247 = vector.shape_cast %parallel_loop3A_246 : vector<1x16xf32> to vector<16xf32>
        %parallel_loop3A_248 = vector.shape_cast %parallel_loop3A_243 : vector<16xf32> to vector<1x16xf32>
        tpu.vector_store %arg11[%parallel_loop3A_244, %parallel_loop3A_245], %parallel_loop3A_248 {strides = array<i32>} : memref<128x64xf32, #tpu.memory_space<vmem>>, vector<1x16xf32>,
        %parallel_loop3A_249 = arith.index_cast %parallel_loop3A_230 : i32 to index
        %parallel_loop3A_250 = arith.constant 32 : index
        %parallel_loop3A_251 = tpu.vector_load %arg7[%parallel_loop3A_249, %parallel_loop3A_250] {strides = array<i32>} : memref<128x128xf32, #tpu.memory_space<vmem>>, vector<1x16xf32>,
        %parallel_loop3A_252 = vector.shape_cast %parallel_loop3A_251 : vector<1x16xf32> to vector<16xf32>
        %parallel_loop3A_253 = arith.index_cast %parallel_loop3A_230 : i32 to index
        %parallel_loop3A_254 = arith.constant 32 : index
        %parallel_loop3A_255 = tpu.vector_load %arg11[%parallel_loop3A_253, %parallel_loop3A_254] {strides = array<i32>} : memref<128x64xf32, #tpu.memory_space<vmem>>, vector<1x16xf32>,
        %parallel_loop3A_256 = vector.shape_cast %parallel_loop3A_255 : vector<1x16xf32> to vector<16xf32>
        %parallel_loop3A_257 = vector.shape_cast %parallel_loop3A_252 : vector<16xf32> to vector<1x16xf32>
        tpu.vector_store %arg11[%parallel_loop3A_253, %parallel_loop3A_254], %parallel_loop3A_257 {strides = array<i32>} : memref<128x64xf32, #tpu.memory_space<vmem>>, vector<1x16xf32>,
        %parallel_loop3A_258 = arith.index_cast %parallel_loop3A_230 : i32 to index
        %parallel_loop3A_259 = arith.constant 48 : index
        %parallel_loop3A_260 = tpu.vector_load %arg7[%parallel_loop3A_258, %parallel_loop3A_259] {strides = array<i32>} : memref<128x128xf32, #tpu.memory_space<vmem>>, vector<1x16xf32>,
        %parallel_loop3A_261 = vector.shape_cast %parallel_loop3A_260 : vector<1x16xf32> to vector<16xf32>
        %parallel_loop3A_262 = arith.index_cast %parallel_loop3A_230 : i32 to index
        %parallel_loop3A_263 = arith.constant 48 : index
        %parallel_loop3A_264 = tpu.vector_load %arg11[%parallel_loop3A_262, %parallel_loop3A_263] {strides = array<i32>} : memref<128x64xf32, #tpu.memory_space<vmem>>, vector<1x16xf32>,
        %parallel_loop3A_265 = vector.shape_cast %parallel_loop3A_264 : vector<1x16xf32> to vector<16xf32>
        %parallel_loop3A_266 = vector.shape_cast %parallel_loop3A_261 : vector<16xf32> to vector<1x16xf32>
        tpu.vector_store %arg11[%parallel_loop3A_262, %parallel_loop3A_263], %parallel_loop3A_266 {strides = array<i32>} : memref<128x64xf32, #tpu.memory_space<vmem>>, vector<1x16xf32>,
      } {sc.loop_unroll_factor = 8 : i64, sc.parallel_access}
      %mul3A_152 = arith.constant 4 : i32
      %mul3A_153 = arith.muli %scan3A_74, %mul3A_152 : i32
      %add3A_154 = arith.constant 1 : i32
      %add3A_155 = arith.addi %mul3A_153, %add3A_154 : i32
      %mul3A_156 = arith.constant 128 : i32
      %mul3A_157 = arith.muli %add3A_155, %mul3A_156 : i32
      %add3A_158 = arith.addi %mul3A_4, %mul3A_157 : i32
      %dma_start3A_159 = arith.constant 0 : i32
      %dma_start3A_160 = tpu.memref_slice %arg4[%add3A_158, %dma_start3A_159] : memref<3276800x64xf32, #tpu.memory_space<hbm>> -> memref<128x64xf32, #tpu.memory_space<hbm>>
      %dma_start3A_161 = arith.constant 0 : i32
      %dma_start3A_162 = tpu.memref_slice %arg4[%add3A_158, %dma_start3A_161] : memref<3276800x64xf32, #tpu.memory_space<hbm>> -> memref<128x64xf32, #tpu.memory_space<hbm>>
      tpu.enqueue_dma source(%arg11 : memref<128x64xf32, #tpu.memory_space<vmem>>) target(%dma_start3A_162 : memref<128x64xf32, #tpu.memory_space<hbm>>) target_semaphore(%arg17 : memref<!tpu.dma_semaphore, #tpu.memory_space<semaphore_mem>>)
      %dma_wait3A_163 = arith.constant 2 : i32
      %dma_wait3A_164 = arith.constant 0 : i32
      %dma_wait3A_165 = tpu.memref_slice %arg5[%rem3A_75, %dma_wait3A_163, %dma_wait3A_164] : memref<3x4x128xi32, #tpu.memory_space<vmem>> -> memref<1x1x128xi32, #tpu.memory_space<vmem>>
      %dma_wait3A_166 = tpu.memref_squeeze %dma_wait3A_165 : memref<1x1x128xi32, #tpu.memory_space<vmem>> -> memref<128xi32, #tpu.memory_space<vmem>>
      %dma_wait3A_167 = arith.constant 0 : i32
      %dma_wait3A_168 = arith.constant 0 : i32
      %dma_wait3A_169 = tpu.memref_slice %arg2[%dma_wait3A_167, %dma_wait3A_168] : memref<55810x128xf32, #tpu.memory_space<hbm>> -> memref<55810x128xf32, #tpu.memory_space<hbm>>
      tpu.wait_indirect_dma semaphore(%arg14 : memref<!tpu.dma_semaphore, #tpu.memory_space<semaphore_mem>>) src(%dma_wait3A_169 : memref<55810x128xf32, #tpu.memory_space<hbm>>) dst(%arg8 : memref<128x128xf32, #tpu.memory_space<vmem>>)
      %mul3A_170 = arith.constant 4 : i32
      %mul3A_171 = arith.muli %scan3A_74, %mul3A_170 : i32
      %add3A_172 = arith.constant 2 : i32
      %add3A_173 = arith.addi %mul3A_171, %add3A_172 : i32
      %sub3A = arith.constant 2 : i32
      %sub3A_174 = arith.subi %add3A_173, %sub3A : i32
      %mul3A_175 = arith.constant 128 : i32
      %mul3A_176 = arith.muli %sub3A_174, %mul3A_175 : i32
      %add3A_177 = arith.addi %mul3A_4, %mul3A_176 : i32
      %dma_wait3A_178 = arith.constant 0 : i32
      %dma_wait3A_179 = tpu.memref_slice %arg4[%add3A_177, %dma_wait3A_178] : memref<3276800x64xf32, #tpu.memory_space<hbm>> -> memref<128x64xf32, #tpu.memory_space<hbm>>
      %dma_wait3A_180 = arith.constant 0 : i32
      %dma_wait3A_181 = tpu.memref_slice %arg4[%add3A_177, %dma_wait3A_180] : memref<3276800x64xf32, #tpu.memory_space<hbm>> -> memref<128x64xf32, #tpu.memory_space<hbm>>
      tpu.wait_dma2 semaphore(%arg16 : memref<!tpu.dma_semaphore, #tpu.memory_space<semaphore_mem>>) src(%arg10 : memref<128x64xf32, #tpu.memory_space<vmem>>) dst(%dma_wait3A_181 : memref<128x64xf32, #tpu.memory_space<hbm>>)
      %parallel_loop3A_182 = arith.constant 0 : i32
      %parallel_loop3A_183 = arith.constant 128 : i32
      %parallel_loop3A_184 = arith.constant 1 : i32
      scf.for %parallel_loop3A_230 = %parallel_loop3A_182 to %parallel_loop3A_183 step %parallel_loop3A_184  : i32 {
        %parallel_loop3A_231 = arith.index_cast %parallel_loop3A_230 : i32 to index
        %parallel_loop3A_232 = arith.constant 0 : index
        %parallel_loop3A_233 = tpu.vector_load %arg8[%parallel_loop3A_231, %parallel_loop3A_232] {strides = array<i32>} : memref<128x128xf32, #tpu.memory_space<vmem>>, vector<1x16xf32>,
        %parallel_loop3A_234 = vector.shape_cast %parallel_loop3A_233 : vector<1x16xf32> to vector<16xf32>
        %parallel_loop3A_235 = arith.index_cast %parallel_loop3A_230 : i32 to index
        %parallel_loop3A_236 = arith.constant 0 : index
        %parallel_loop3A_237 = tpu.vector_load %arg10[%parallel_loop3A_235, %parallel_loop3A_236] {strides = array<i32>} : memref<128x64xf32, #tpu.memory_space<vmem>>, vector<1x16xf32>,
        %parallel_loop3A_238 = vector.shape_cast %parallel_loop3A_237 : vector<1x16xf32> to vector<16xf32>
        %parallel_loop3A_239 = vector.shape_cast %parallel_loop3A_234 : vector<16xf32> to vector<1x16xf32>
        tpu.vector_store %arg10[%parallel_loop3A_235, %parallel_loop3A_236], %parallel_loop3A_239 {strides = array<i32>} : memref<128x64xf32, #tpu.memory_space<vmem>>, vector<1x16xf32>,
        %parallel_loop3A_240 = arith.index_cast %parallel_loop3A_230 : i32 to index
        %parallel_loop3A_241 = arith.constant 16 : index
        %parallel_loop3A_242 = tpu.vector_load %arg8[%parallel_loop3A_240, %parallel_loop3A_241] {strides = array<i32>} : memref<128x128xf32, #tpu.memory_space<vmem>>, vector<1x16xf32>,
        %parallel_loop3A_243 = vector.shape_cast %parallel_loop3A_242 : vector<1x16xf32> to vector<16xf32>
        %parallel_loop3A_244 = arith.index_cast %parallel_loop3A_230 : i32 to index
        %parallel_loop3A_245 = arith.constant 16 : index
        %parallel_loop3A_246 = tpu.vector_load %arg10[%parallel_loop3A_244, %parallel_loop3A_245] {strides = array<i32>} : memref<128x64xf32, #tpu.memory_space<vmem>>, vector<1x16xf32>,
        %parallel_loop3A_247 = vector.shape_cast %parallel_loop3A_246 : vector<1x16xf32> to vector<16xf32>
        %parallel_loop3A_248 = vector.shape_cast %parallel_loop3A_243 : vector<16xf32> to vector<1x16xf32>
        tpu.vector_store %arg10[%parallel_loop3A_244, %parallel_loop3A_245], %parallel_loop3A_248 {strides = array<i32>} : memref<128x64xf32, #tpu.memory_space<vmem>>, vector<1x16xf32>,
        %parallel_loop3A_249 = arith.index_cast %parallel_loop3A_230 : i32 to index
        %parallel_loop3A_250 = arith.constant 32 : index
        %parallel_loop3A_251 = tpu.vector_load %arg8[%parallel_loop3A_249, %parallel_loop3A_250] {strides = array<i32>} : memref<128x128xf32, #tpu.memory_space<vmem>>, vector<1x16xf32>,
        %parallel_loop3A_252 = vector.shape_cast %parallel_loop3A_251 : vector<1x16xf32> to vector<16xf32>
        %parallel_loop3A_253 = arith.index_cast %parallel_loop3A_230 : i32 to index
        %parallel_loop3A_254 = arith.constant 32 : index
        %parallel_loop3A_255 = tpu.vector_load %arg10[%parallel_loop3A_253, %parallel_loop3A_254] {strides = array<i32>} : memref<128x64xf32, #tpu.memory_space<vmem>>, vector<1x16xf32>,
        %parallel_loop3A_256 = vector.shape_cast %parallel_loop3A_255 : vector<1x16xf32> to vector<16xf32>
        %parallel_loop3A_257 = vector.shape_cast %parallel_loop3A_252 : vector<16xf32> to vector<1x16xf32>
        tpu.vector_store %arg10[%parallel_loop3A_253, %parallel_loop3A_254], %parallel_loop3A_257 {strides = array<i32>} : memref<128x64xf32, #tpu.memory_space<vmem>>, vector<1x16xf32>,
        %parallel_loop3A_258 = arith.index_cast %parallel_loop3A_230 : i32 to index
        %parallel_loop3A_259 = arith.constant 48 : index
        %parallel_loop3A_260 = tpu.vector_load %arg8[%parallel_loop3A_258, %parallel_loop3A_259] {strides = array<i32>} : memref<128x128xf32, #tpu.memory_space<vmem>>, vector<1x16xf32>,
        %parallel_loop3A_261 = vector.shape_cast %parallel_loop3A_260 : vector<1x16xf32> to vector<16xf32>
        %parallel_loop3A_262 = arith.index_cast %parallel_loop3A_230 : i32 to index
        %parallel_loop3A_263 = arith.constant 48 : index
        %parallel_loop3A_264 = tpu.vector_load %arg10[%parallel_loop3A_262, %parallel_loop3A_263] {strides = array<i32>} : memref<128x64xf32, #tpu.memory_space<vmem>>, vector<1x16xf32>,
        %parallel_loop3A_265 = vector.shape_cast %parallel_loop3A_264 : vector<1x16xf32> to vector<16xf32>
        %parallel_loop3A_266 = vector.shape_cast %parallel_loop3A_261 : vector<16xf32> to vector<1x16xf32>
        tpu.vector_store %arg10[%parallel_loop3A_262, %parallel_loop3A_263], %parallel_loop3A_266 {strides = array<i32>} : memref<128x64xf32, #tpu.memory_space<vmem>>, vector<1x16xf32>,
      } {sc.loop_unroll_factor = 8 : i64, sc.parallel_access}
      %mul3A_185 = arith.constant 4 : i32
      %mul3A_186 = arith.muli %scan3A_74, %mul3A_185 : i32
      %add3A_187 = arith.constant 2 : i32
      %add3A_188 = arith.addi %mul3A_186, %add3A_187 : i32
      %mul3A_189 = arith.constant 128 : i32
      %mul3A_190 = arith.muli %add3A_188, %mul3A_189 : i32
      %add3A_191 = arith.addi %mul3A_4, %mul3A_190 : i32
      %dma_start3A_192 = arith.constant 0 : i32
      %dma_start3A_193 = tpu.memref_slice %arg4[%add3A_191, %dma_start3A_192] : memref<3276800x64xf32, #tpu.memory_space<hbm>> -> memref<128x64xf32, #tpu.memory_space<hbm>>
      %dma_start3A_194 = arith.constant 0 : i32
      %dma_start3A_195 = tpu.memref_slice %arg4[%add3A_191, %dma_start3A_194] : memref<3276800x64xf32, #tpu.memory_space<hbm>> -> memref<128x64xf32, #tpu.memory_space<hbm>>
      tpu.enqueue_dma source(%arg10 : memref<128x64xf32, #tpu.memory_space<vmem>>) target(%dma_start3A_195 : memref<128x64xf32, #tpu.memory_space<hbm>>) target_semaphore(%arg16 : memref<!tpu.dma_semaphore, #tpu.memory_space<semaphore_mem>>)
      %dma_wait3A_196 = arith.constant 3 : i32
      %dma_wait3A_197 = arith.constant 0 : i32
      %dma_wait3A_198 = tpu.memref_slice %arg5[%rem3A_75, %dma_wait3A_196, %dma_wait3A_197] : memref<3x4x128xi32, #tpu.memory_space<vmem>> -> memref<1x1x128xi32, #tpu.memory_space<vmem>>
      %dma_wait3A_199 = tpu.memref_squeeze %dma_wait3A_198 : memref<1x1x128xi32, #tpu.memory_space<vmem>> -> memref<128xi32, #tpu.memory_space<vmem>>
      %dma_wait3A_200 = arith.constant 0 : i32
      %dma_wait3A_201 = arith.constant 0 : i32
      %dma_wait3A_202 = tpu.memref_slice %arg2[%dma_wait3A_200, %dma_wait3A_201] : memref<55810x128xf32, #tpu.memory_space<hbm>> -> memref<55810x128xf32, #tpu.memory_space<hbm>>
      tpu.wait_indirect_dma semaphore(%arg15 : memref<!tpu.dma_semaphore, #tpu.memory_space<semaphore_mem>>) src(%dma_wait3A_202 : memref<55810x128xf32, #tpu.memory_space<hbm>>) dst(%arg9 : memref<128x128xf32, #tpu.memory_space<vmem>>)
      %mul3A_203 = arith.constant 4 : i32
      %mul3A_204 = arith.muli %scan3A_74, %mul3A_203 : i32
      %add3A_205 = arith.constant 3 : i32
      %add3A_206 = arith.addi %mul3A_204, %add3A_205 : i32
      %sub3A_207 = arith.constant 2 : i32
      %sub3A_208 = arith.subi %add3A_206, %sub3A_207 : i32
      %mul3A_209 = arith.constant 128 : i32
      %mul3A_210 = arith.muli %sub3A_208, %mul3A_209 : i32
      %add3A_211 = arith.addi %mul3A_4, %mul3A_210 : i32
      %dma_wait3A_212 = arith.constant 0 : i32
      %dma_wait3A_213 = tpu.memref_slice %arg4[%add3A_211, %dma_wait3A_212] : memref<3276800x64xf32, #tpu.memory_space<hbm>> -> memref<128x64xf32, #tpu.memory_space<hbm>>
      %dma_wait3A_214 = arith.constant 0 : i32
      %dma_wait3A_215 = tpu.memref_slice %arg4[%add3A_211, %dma_wait3A_214] : memref<3276800x64xf32, #tpu.memory_space<hbm>> -> memref<128x64xf32, #tpu.memory_space<hbm>>
      tpu.wait_dma2 semaphore(%arg17 : memref<!tpu.dma_semaphore, #tpu.memory_space<semaphore_mem>>) src(%arg11 : memref<128x64xf32, #tpu.memory_space<vmem>>) dst(%dma_wait3A_215 : memref<128x64xf32, #tpu.memory_space<hbm>>)
      %parallel_loop3A_216 = arith.constant 0 : i32
      %parallel_loop3A_217 = arith.constant 128 : i32
      %parallel_loop3A_218 = arith.constant 1 : i32
      scf.for %parallel_loop3A_230 = %parallel_loop3A_216 to %parallel_loop3A_217 step %parallel_loop3A_218  : i32 {
        %parallel_loop3A_231 = arith.index_cast %parallel_loop3A_230 : i32 to index
        %parallel_loop3A_232 = arith.constant 0 : index
        %parallel_loop3A_233 = tpu.vector_load %arg9[%parallel_loop3A_231, %parallel_loop3A_232] {strides = array<i32>} : memref<128x128xf32, #tpu.memory_space<vmem>>, vector<1x16xf32>,
        %parallel_loop3A_234 = vector.shape_cast %parallel_loop3A_233 : vector<1x16xf32> to vector<16xf32>
        %parallel_loop3A_235 = arith.index_cast %parallel_loop3A_230 : i32 to index
        %parallel_loop3A_236 = arith.constant 0 : index
        %parallel_loop3A_237 = tpu.vector_load %arg11[%parallel_loop3A_235, %parallel_loop3A_236] {strides = array<i32>} : memref<128x64xf32, #tpu.memory_space<vmem>>, vector<1x16xf32>,
        %parallel_loop3A_238 = vector.shape_cast %parallel_loop3A_237 : vector<1x16xf32> to vector<16xf32>
        %parallel_loop3A_239 = vector.shape_cast %parallel_loop3A_234 : vector<16xf32> to vector<1x16xf32>
        tpu.vector_store %arg11[%parallel_loop3A_235, %parallel_loop3A_236], %parallel_loop3A_239 {strides = array<i32>} : memref<128x64xf32, #tpu.memory_space<vmem>>, vector<1x16xf32>,
        %parallel_loop3A_240 = arith.index_cast %parallel_loop3A_230 : i32 to index
        %parallel_loop3A_241 = arith.constant 16 : index
        %parallel_loop3A_242 = tpu.vector_load %arg9[%parallel_loop3A_240, %parallel_loop3A_241] {strides = array<i32>} : memref<128x128xf32, #tpu.memory_space<vmem>>, vector<1x16xf32>,
        %parallel_loop3A_243 = vector.shape_cast %parallel_loop3A_242 : vector<1x16xf32> to vector<16xf32>
        %parallel_loop3A_244 = arith.index_cast %parallel_loop3A_230 : i32 to index
        %parallel_loop3A_245 = arith.constant 16 : index
        %parallel_loop3A_246 = tpu.vector_load %arg11[%parallel_loop3A_244, %parallel_loop3A_245] {strides = array<i32>} : memref<128x64xf32, #tpu.memory_space<vmem>>, vector<1x16xf32>,
        %parallel_loop3A_247 = vector.shape_cast %parallel_loop3A_246 : vector<1x16xf32> to vector<16xf32>
        %parallel_loop3A_248 = vector.shape_cast %parallel_loop3A_243 : vector<16xf32> to vector<1x16xf32>
        tpu.vector_store %arg11[%parallel_loop3A_244, %parallel_loop3A_245], %parallel_loop3A_248 {strides = array<i32>} : memref<128x64xf32, #tpu.memory_space<vmem>>, vector<1x16xf32>,
        %parallel_loop3A_249 = arith.index_cast %parallel_loop3A_230 : i32 to index
        %parallel_loop3A_250 = arith.constant 32 : index
        %parallel_loop3A_251 = tpu.vector_load %arg9[%parallel_loop3A_249, %parallel_loop3A_250] {strides = array<i32>} : memref<128x128xf32, #tpu.memory_space<vmem>>, vector<1x16xf32>,
        %parallel_loop3A_252 = vector.shape_cast %parallel_loop3A_251 : vector<1x16xf32> to vector<16xf32>
        %parallel_loop3A_253 = arith.index_cast %parallel_loop3A_230 : i32 to index
        %parallel_loop3A_254 = arith.constant 32 : index
        %parallel_loop3A_255 = tpu.vector_load %arg11[%parallel_loop3A_253, %parallel_loop3A_254] {strides = array<i32>} : memref<128x64xf32, #tpu.memory_space<vmem>>, vector<1x16xf32>,
        %parallel_loop3A_256 = vector.shape_cast %parallel_loop3A_255 : vector<1x16xf32> to vector<16xf32>
        %parallel_loop3A_257 = vector.shape_cast %parallel_loop3A_252 : vector<16xf32> to vector<1x16xf32>
        tpu.vector_store %arg11[%parallel_loop3A_253, %parallel_loop3A_254], %parallel_loop3A_257 {strides = array<i32>} : memref<128x64xf32, #tpu.memory_space<vmem>>, vector<1x16xf32>,
        %parallel_loop3A_258 = arith.index_cast %parallel_loop3A_230 : i32 to index
        %parallel_loop3A_259 = arith.constant 48 : index
        %parallel_loop3A_260 = tpu.vector_load %arg9[%parallel_loop3A_258, %parallel_loop3A_259] {strides = array<i32>} : memref<128x128xf32, #tpu.memory_space<vmem>>, vector<1x16xf32>,
        %parallel_loop3A_261 = vector.shape_cast %parallel_loop3A_260 : vector<1x16xf32> to vector<16xf32>
        %parallel_loop3A_262 = arith.index_cast %parallel_loop3A_230 : i32 to index
        %parallel_loop3A_263 = arith.constant 48 : index
        %parallel_loop3A_264 = tpu.vector_load %arg11[%parallel_loop3A_262, %parallel_loop3A_263] {strides = array<i32>} : memref<128x64xf32, #tpu.memory_space<vmem>>, vector<1x16xf32>,
        %parallel_loop3A_265 = vector.shape_cast %parallel_loop3A_264 : vector<1x16xf32> to vector<16xf32>
        %parallel_loop3A_266 = vector.shape_cast %parallel_loop3A_261 : vector<16xf32> to vector<1x16xf32>
        tpu.vector_store %arg11[%parallel_loop3A_262, %parallel_loop3A_263], %parallel_loop3A_266 {strides = array<i32>} : memref<128x64xf32, #tpu.memory_space<vmem>>, vector<1x16xf32>,
      } {sc.loop_unroll_factor = 8 : i64, sc.parallel_access}
      %mul3A_219 = arith.constant 4 : i32
      %mul3A_220 = arith.muli %scan3A_74, %mul3A_219 : i32
      %add3A_221 = arith.constant 3 : i32
      %add3A_222 = arith.addi %mul3A_220, %add3A_221 : i32
      %mul3A_223 = arith.constant 128 : i32
      %mul3A_224 = arith.muli %add3A_222, %mul3A_223 : i32
      %add3A_225 = arith.addi %mul3A_4, %mul3A_224 : i32
      %dma_start3A_226 = arith.constant 0 : i32
      %dma_start3A_227 = tpu.memref_slice %arg4[%add3A_225, %dma_start3A_226] : memref<3276800x64xf32, #tpu.memory_space<hbm>> -> memref<128x64xf32, #tpu.memory_space<hbm>>
      %dma_start3A_228 = arith.constant 0 : i32
      %dma_start3A_229 = tpu.memref_slice %arg4[%add3A_225, %dma_start3A_228] : memref<3276800x64xf32, #tpu.memory_space<hbm>> -> memref<128x64xf32, #tpu.memory_space<hbm>>
      tpu.enqueue_dma source(%arg11 : memref<128x64xf32, #tpu.memory_space<vmem>>) target(%dma_start3A_229 : memref<128x64xf32, #tpu.memory_space<hbm>>) target_semaphore(%arg17 : memref<!tpu.dma_semaphore, #tpu.memory_space<semaphore_mem>>)
    }
    %scan3A_61 = arith.constant 200 : i32
    %add3A_62 = arith.constant 102144 : i32
    %add3A_63 = arith.addi %mul3A_4, %add3A_62 : i32
    %dma_wait3A_64 = arith.constant 0 : i32
    %dma_wait3A_65 = tpu.memref_slice %arg4[%add3A_63, %dma_wait3A_64] : memref<3276800x64xf32, #tpu.memory_space<hbm>> -> memref<128x64xf32, #tpu.memory_space<hbm>>
    %dma_wait3A_66 = arith.constant 0 : i32
    %dma_wait3A_67 = tpu.memref_slice %arg4[%add3A_63, %dma_wait3A_66] : memref<3276800x64xf32, #tpu.memory_space<hbm>> -> memref<128x64xf32, #tpu.memory_space<hbm>>
    tpu.wait_dma2 semaphore(%arg16 : memref<!tpu.dma_semaphore, #tpu.memory_space<semaphore_mem>>) src(%arg10 : memref<128x64xf32, #tpu.memory_space<vmem>>) dst(%dma_wait3A_67 : memref<128x64xf32, #tpu.memory_space<hbm>>)
    %add3A_68 = arith.constant 102272 : i32
    %add3A_69 = arith.addi %mul3A_4, %add3A_68 : i32
    %dma_wait3A_70 = arith.constant 0 : i32
    %dma_wait3A_71 = tpu.memref_slice %arg4[%add3A_69, %dma_wait3A_70] : memref<3276800x64xf32, #tpu.memory_space<hbm>> -> memref<128x64xf32, #tpu.memory_space<hbm>>
    %dma_wait3A_72 = arith.constant 0 : i32
    %dma_wait3A_73 = tpu.memref_slice %arg4[%add3A_69, %dma_wait3A_72] : memref<3276800x64xf32, #tpu.memory_space<hbm>> -> memref<128x64xf32, #tpu.memory_space<hbm>>
    tpu.wait_dma2 semaphore(%arg17 : memref<!tpu.dma_semaphore, #tpu.memory_space<semaphore_mem>>) src(%arg11 : memref<128x64xf32, #tpu.memory_space<vmem>>) dst(%dma_wait3A_73 : memref<128x64xf32, #tpu.memory_space<hbm>>)
    return
  }
}

module attributes {stable_mosaic.version = 14 : i64} {
  func.func @_scale_pad_body(%arg0: i32, %arg1: memref<1024x64xf32, #tpu.memory_space<vmem>>, %arg2: memref<1024x128xf32, #tpu.memory_space<vmem>>) attributes {dimension_semantics = [#tpu.dimension_semantics<arbitrary>], iteration_bounds = array<i64: 55>, scalar_prefetch = 0 : i64, scratch_operands = 0 : i64, tpu.core_type = #tpu.core_type<tc>, window_params = [{transform_indices = @transform_0, window_bounds = array<i64: 1024, 64>}, {transform_indices = @transform_1, window_bounds = array<i64: 1024, 128>}]} {
    %get3A = arith.constant 0 : index
    %get3A_0 = arith.constant 0 : index
    %get3A_1 = vector.load %arg1[%get3A, %get3A_0] : memref<1024x64xf32, #tpu.memory_space<vmem>>, vector<1024x64xf32>
    %mul3A = arith.constant 8.000000e+00 : f32
    %mul3A_2 = vector.broadcast %mul3A : f32 to vector<1024x64xf32>
    %mul3A_3 = arith.mulf %get3A_1, %mul3A_2 : vector<1024x64xf32>
    %broadcast_in_dim3A = arith.constant 0.000000e+00 : f32
    %broadcast_in_dim3A_4 = vector.broadcast %broadcast_in_dim3A : f32 to vector<1024x64xf32>
    %concatenate3A = tpu.concatenate %mul3A_3, %broadcast_in_dim3A_4 in 1 : vector<1024x64xf32>, vector<1024x64xf32> -> vector<1024x128xf32>
    %swap3A = arith.constant 0 : index
    %swap3A_5 = arith.constant 0 : index
    %swap3A_6 = vector.load %arg2[%swap3A, %swap3A_5] : memref<1024x128xf32, #tpu.memory_space<vmem>>, vector<1024x128xf32>
    tpu.vector_store %arg2[%swap3A, %swap3A_5], %concatenate3A {strides = array<i32>} : memref<1024x128xf32, #tpu.memory_space<vmem>>, vector<1024x128xf32>,
    return
  }
  func.func @transform_0(%arg0: i32) -> (i32, i32) {
    %c0_i32 = arith.constant 0 : i32
    %c0_i32_0 = arith.constant 0 : i32
    return %arg0, %c0_i32 : i32, i32
  }
  func.func @transform_1(%arg0: i32) -> (i32, i32) {
    %c0_i32 = arith.constant 0 : i32
    %c0_i32_0 = arith.constant 0 : i32
    return %arg0, %c0_i32 : i32, i32
  }
}

</mosaic_0001>

<sc_bundles>
// kernel: kernel.4.cloned.1.call-start
scs
__scs_entry_jumppad:
0x0: {  	(pc) =	sbr.rel $0x88, $3  }
0x1: {  	(tag) =	ssettag $0x0;
	lr =	simm.s32 $0x1  }
0x2: {  	[smem:$0x3F9F] =	sst lr;
	_ =	strace $0xD0000000  }
0x3: {  	_ = 	snop  }
0x4: {  	_ = 	snop  }
0x5: {  	_ = 	snop  }
0x6: {  	_ = 	snop  }
0x7: {  	_ = 	snop  }
__scs_overlays_trampoline_lowered:
0x8: {  	[smem:$0x3FAE] =	sst s0  }
0x9: {  	[smem:$0x3FAF] =	sst s1  }
0xa: {  	[smem:$0x3FB0] =	sst s2  }
0xb: {  	[smem:$0x3FB1] =	sst s3  }
0xc: {  	[smem:$0x3FB2] =	sst s4  }
0xd: {  	[smem:$0x3FB3] =	sst s5  }
0xe: {  	[smem:$0x3FB4] =	sst s6  }
0xf: {  	[smem:$0x3FB5] =	sst s7  }
0x10: {  	[smem:$0x3FB6] =	sst s8  }
0x11: {  	[smem:$0x3FB7] =	sst s9;
	s0 =	simm.s32 @!p0 $0x0  }
0x12: {  	s1 =	sld [smem:$0x3F9D];
	s0 =	simm.s32 @p0 $0x1  }
0x13: {  	[smem:$0x3FB8] =	sst s0;
	s0 =	simm.s32 @!p1 $0x0  }
0x14: {  	s2 =	sld [smem:$0x3F9C];
	s0 =	simm.s32 @p1 $0x1  }
0x15: {  	[smem:$0x3FB9] =	sst s0;
	s0 =	simm.s32 @!p2 $0x0  }
0x16: {  	s3 =	sld [smem:$0x3FDB];
	s0 =	simm.s32 @p2 $0x1  }
0x17: {  	s4 =	simm.s32 $0x1BF5;
	[smem:$0x3FBB] =	sst s0  }
0x18: {  	s0 =	sld [smem:$0x3F9E];
	_ =	swait.ge [sflag:s4], $0x0  }
0x19: {  	s7 =	sld [smem:$0x3F9F]  }
0x1a: {  	s8 =	sadd.s32 $0xFFFFE003, lr  }
0x1b: {  	s9 =	sadd.s32 $0xFFFFFEF7, lr;
	s5 =	simm.s32 $0xFFFFFFFF;
	p2 =	slt.u32 s8, $0xFFFFF086  }
0x1c: {  	p1 =	slt.u32 s9, $0xF7A;
	s5 =	simm.s32 @!p2 $0x0  }
0x1d: {  	s5 =	simm.s32 @p1 $0x1;
	p0 =	seq.s32 s7, s2  }
0x1e: {  	s7 =	smul.u32 @!p0 $0xF7A, s2;
	p2 =	seq.s32 @!p0 s5, $0x0  }
0x1f: {  	s9 =	smul.u32 $0xF7A, s1;
	s8 =	simm.s32 @!p0 $0x1BF5;
	p2 =	por !p2, p0  }
0x20: {  	[sflag:s8] =	ssyncset.s32 @!p0 $0xFFFFF086;
	s6 =	sadd.s32 @!p0 s3, s7;
	s7 =	simm.s32 @!p0 $0x108  }
0x21: {  	s3 =	sadd.s32 s3, s9;
	s6 =	sadd.s32 @!p0 $0x88, s6;
	s7 =	simm.s32 @p2 $0x1082  }
0x22: {  	[simem:s7], [sflag:s8] =	dma.local @!p0 [hbm:s6], $0xF7A  }
0x23: {  	s9 =	sor.u32 $0xD0000000, s2;
	s6 =	simm.s32 $0x108;
	_ =	swait.ge @!p0 [sflag:s8], $0x0  }
0x24: {  	s3 =	sadd.s32 $0x88, s3;
	s6 =	simm.s32 @!p1 $0x1082;
	[sflag:s4] =	ssyncset.s32 $0xFFFFF086  }
0x25: {  	[simem:s6], [sflag:s4] =	dma.local [hbm:s3], $0xF7A  }
0x26: {  	[smem:$0x3F9F] =	sst s1;
	(tag) =	ssettag s2;
	_ =	strace s9  }
0x27: {  	s1 =	sld [smem:$0x3FAF]  }
0x28: {  	s2 =	sld [smem:$0x3FB0]  }
0x29: {  	s4 =	sld [smem:$0x3FB2]  }
0x2a: {  	p0 =	seq.s32 s5, $0x0;
	s5 =	sld [smem:$0x3FB3]  }
0x2b: {  	s6 =	sld [smem:$0x3FB4]  }
0x2c: {  	s7 =	sld [smem:$0x3FB5]  }
0x2d: {  	s3 =	simm.s32 $0x108;
	s8 =	sld [smem:$0x3FB6]  }
0x2e: {  	s3 =	simm.s32 @!p0 $0x1082;
	s9 =	sld [smem:$0x3FB7]  }
0x2f: {  	lr =	sadd.s32 s0, s3;
	s0 =	sld [smem:$0x3FAE]  }
0x30: {  	s3 =	sld [smem:$0x3FB1]  }
0x31: {  	[smem:$0x3FBA] =	sst s10  }
0x32: {  	s10 =	sld [smem:$0x3FB8];
	_ =	sdelay $0x3  }
0x33: {  	p0 =	seq.s32 s10, $0x1;
	s10 =	sld [smem:$0x3FBA];
	_ =	sdelay $0x3  }
0x34: {  	[smem:$0x3FBA] =	sst s10  }
0x35: {  	s10 =	sld [smem:$0x3FB9];
	_ =	sdelay $0x3  }
0x36: {  	p1 =	seq.s32 s10, $0x1;
	s10 =	sld [smem:$0x3FBA];
	_ =	sdelay $0x3  }
0x37: {  	[smem:$0x3FBA] =	sst s10  }
0x38: {  	s10 =	sld [smem:$0x3FBB]  }
0x39: {  	_ = 	snop;
	(pc) =	sbr.ind lr, $3  }
0x3a: {  	_ = 	snop  }
0x3b: {  	_ = 	snop  }
0x3c: {  	p2 =	seq.s32 s10, $0x1;
	s10 =	sld [smem:$0x3FBA]  }
0x3d: {  	_ =	shalt  }
0x3e: {  	_ =	shalt  }
0x3f: {  	_ =	shalt  }
0x40: {  	_ =	shalt  }
0x41: {  	_ =	shalt  }
0x42: {  	_ =	shalt  }
0x43: {  	_ =	shalt  }
0x44: {  	_ =	shalt  }
0x45: {  	_ =	shalt  }
0x46: {  	_ =	shalt  }
0x47: {  	_ =	shalt  }
0x48: {  	_ =	shalt  }
0x49: {  	_ =	shalt  }
0x4a: {  	_ =	shalt  }
0x4b: {  	_ =	shalt  }
0x4c: {  	_ =	shalt  }
0x4d: {  	_ =	shalt  }
0x4e: {  	_ =	shalt  }
0x4f: {  	_ =	shalt  }
0x50: {  	_ =	shalt  }
0x51: {  	_ =	shalt  }
0x52: {  	_ =	shalt  }
0x53: {  	_ =	shalt  }
0x54: {  	_ =	shalt  }
0x55: {  	_ =	shalt  }
0x56: {  	_ =	shalt  }
0x57: {  	_ =	shalt  }
0x58: {  	_ =	shalt  }
0x59: {  	_ =	shalt  }
0x5a: {  	_ =	shalt  }
0x5b: {  	_ =	shalt  }
0x5c: {  	_ =	shalt  }
0x5d: {  	_ =	shalt  }
0x5e: {  	_ =	shalt  }
0x5f: {  	_ =	shalt  }
0x60: {  	_ =	shalt  }
0x61: {  	_ =	shalt  }
0x62: {  	_ =	shalt  }
0x63: {  	_ =	shalt  }
0x64: {  	_ =	shalt  }
0x65: {  	_ =	shalt  }
0x66: {  	_ =	shalt  }
0x67: {  	_ =	shalt  }
0x68: {  	_ =	shalt  }
0x69: {  	_ =	shalt  }
0x6a: {  	_ =	shalt  }
0x6b: {  	_ =	shalt  }
0x6c: {  	_ =	shalt  }
0x6d: {  	_ =	shalt  }
0x6e: {  	_ =	shalt  }
0x6f: {  	_ =	shalt  }
0x70: {  	_ =	shalt  }
0x71: {  	_ =	shalt  }
0x72: {  	_ =	shalt  }
0x73: {  	_ =	shalt  }
0x74: {  	_ =	shalt  }
0x75: {  	_ =	shalt  }
0x76: {  	_ =	shalt  }
0x77: {  	_ =	shalt  }
0x78: {  	_ =	shalt  }
0x79: {  	_ =	shalt  }
0x7a: {  	_ =	shalt  }
0x7b: {  	_ =	shalt  }
0x7c: {  	_ =	shalt  }
0x7d: {  	_ =	shalt  }
0x7e: {  	_ =	shalt  }
0x7f: {  	_ =	shalt  }
0x80: {  	_ =	shalt  }
0x81: {  	_ =	shalt  }
0x82: {  	_ =	shalt  }
0x83: {  	_ =	shalt  }
0x84: {  	_ =	shalt  }
0x85: {  	_ =	shalt  }
0x86: {  	_ =	shalt  }
0x87: {  	_ =	shalt  }
.Lfunc_end0:
.L_simem_size_0:
called_computation.1_lowered:
.L_overlay_start_0:
0x88: {  	s2 =	sld [smem:$0x3FD9]  }
0x89: {  	s3 =	sld [smem:$0x3FFE];
	_ =	sdelay $0x1  }
0x8a: {  	s1 =	srdreg.scid  }
0x8b: {  	s0 =	sand.u32 $0x1, s1  }
0x8c: {  	s16 =	sshll.u32 s0, $0xA;
	s2 =	sadd.s32 s3, s2  }
0x8d: {  	s2 =	sadd.s32 s2, s16  }
0x8e: {  	[smem:$0x3FC6] =	sst s2  }
0x8f: {  	_ = 	snop  }
0x90: {  	(tm) =	ssettm $0x1  }
0x91: {  	s17 =	sld [smem:$0x3FFB];
	_ =	sdelay $0x3  }
0x92: {  	_ =	strace s17  }
0x93: {  	s2 =	sld [smem:$0x3FFC];
	_ =	sdelay $0x3  }
0x94: {  	_ =	strace s2  }
0x95: {  	s2 =	sld [smem:$0x3FFD];
	_ =	sdelay $0x3  }
0x96: {  	_ =	strace s2  }
0x97: {  	_ =	strace $0x8FFFFFFF  }
0x98: {  	s18 =	sld [smem:$0x3FDB];
	_ =	sdelay $0x1  }
0x99: {  	s19 =	simm.s32 $_scs_section_size  }
0x9a: {  	s4 =	simm.s32 $_size__tile_overlayer_lowered;
	s5 =	simm.s32 $_tile_overlayer_lowered  }
0x9b: {  	s22 =	simm.s32 $0x1BFF;
	s21 =	sshll.u32 s5, $0x1;
	s2 =	sadd.s32 s19, s18  }
0x9c: {  	s6 =	simm.s32 $0x0;
	s20 =	sshll.u32 s4, $0x1;
	s4 =	sadd.s32 s21, s2  }
0x9d: {  	[timem:s6], [sflag:s22] =	dma.local [hbm:s4], s20  }
0x9e: {  	_ =	swait.ge [sflag:s22], s20  }
0x9f: {  	s3 =	ssub.s32 $0x0, s20;
	[sflag:s22] =	ssyncset.done $0x0  }
0xa0: {  	[sflag:s22] =	ssyncadd.s32 s3;
	_ =	sdelay $0x1  }
0xa1: {  	s23 =	simm.s32 $0x1B8B  }
0xa2: {  	_ =	swait.ge [sflag:s23], $0x1  }
0xa3: {  	[sflag:s23] =	ssyncset.done $0x0  }
0xa4: {  	s25 =	simm.s32 $0x1B8E;
	s24 =	sld [smem:$0x3FFE];
	[sflag:s23] =	ssyncadd.s32 $0xFFFFFFFF  }
0xa5: {  	s26 =	simm.s32 $execute0_lowered;
	[smem:$0x3FD2] =	sst s25  }
0xa6: {  	s4 =	sshll.u32 s26, $0x1;
	_ =	strace $0x80000046;
	[dreg:$0x1] =	wrdreg $0xFFFFFFFF  }
0xa7: {  	s28 =	simm.s32 $_size_execute0_lowered;
	s2 =	sadd.s32 s2, s4;
	[dreg:$0x0] =	wrdreg $0x0  }
0xa8: {  	s4 =	sshll.u32 s28, $0x1;
	[dreg:$0x2] =	wrdreg s2  }
0xa9: {  	[dreg:$0x3] =	wrdreg s4  }
0xaa: {  	[dreg:$0x4] =	wrdreg $0xC0  }
0xab: {  	_ =	task [dreg:s6], $0x5FFFF  }
0xac: {  	[dreg:$0x1] =	wrdreg $0xFFFFFFFF  }
0xad: {  	[dreg:$0x0] =	wrdreg $0x60  }
0xae: {  	[dreg:$0x2] =	wrdreg s24  }
0xaf: {  	[dreg:$0x3] =	wrdreg $0x9  }
0xb0: {  	_ =	task.clear_ibuf [dreg:s6], $0x4FFFF;
	_ =	strace $0x90000046  }
0xb1: {  	s29 =	simm.s32 $0x9;
	_ =	strace $0x80000048  }
0xb2: {  	_ =	swait.ge [sflag:s29], $0x1  }
0xb3: {  	[sflag:s29] =	ssyncadd.s32 $0xFFFFFFFF  }
0xb4: {  	_ =	strace $0x90000048  }
0xb5: {  	_ =	sfence  }
0xb6: {  	s30 =	sld [smem:$0x0];
	_ =	sdelay $0x2  }
0xb7: {  	s31 =	sshll.u32 s1, $0xD;
	s1 =	sshrl.u32 s1, $0x2  }
0xb8: {  	s3 =	sand.u32 $0x4000, s31;
	s1 =	sadd.s32 s1, s30  }
0xb9: {  	s0 =	sor.u32 s3, s0;
	s1 =	sshll.u32 s1, $0x11  }
0xba: {  	s0 =	sor.u32 s1, s0  }
0xbb: {  	s0 =	sadd.s32 $0x8F2B, s0  }
0xbc: {  	[sflag:s0] =	ssyncadd.remote.s32 $0x1  }
0xbd: {  	_ =	sfence.sel $0xFFFF  }
0xbe: {  	[dreg:$0x0] =	wrdreg $0xFFFFFFFF;
	(pc) =	sbr.abs _section_cstart, $3  }
0xbf: {  	[dreg:$0x1] =	wrdreg $0xFFFFFFFF  }
0xc0: {  	_ =	task.clear_ibuf [dreg:s6], $0x2FFFF;
	_ =	strace $0x9FFFFFFF  }
0xc1: {  	(tm) =	ssettm $0x7FFFFFFF  }
tec
execute0_lowered:
.L_overlay_start_1:
0x0: {  	(tag) =	ssettag $0x1  }
0x1: {  	s0 =	rddreg [dreg:$0x0];
	s1 =	srdreg.scid  }
0x2: {  	s3 =	stileid.u32;
	s2 =	simm.s32 $0x0;
	s14 =	simm.s32 $0x7  }
0x3: {  	s16 =	simm.s32 $0x80;
	s17 =	simm.s32 $0x600;
	s18 =	simm.s32 $0x4600  }
0x4: {  	s19 =	simm.s32 $0x8600;
	s20 =	simm.s32 $0xC600;
	s21 =	simm.s32 $0x1  }
0x5: {  	s22 =	simm.s32 $0x10600;
	s23 =	simm.s32 $0x2;
	s24 =	simm.s32 $0x14600  }
0x6: {  	s25 =	simm.s32 $0x3;
	s28 =	simm.s32 $0x4;
	s29 =	simm.s32 $0x6  }
0x7: {  	s30 =	simm.s32 $0x0;
	s1 =	sand.u32 $0x1, s1;
	s3 =	sshll.u32 s3, $0x1  }
0x8: {  	[smem:$0x7FF] =	sst s2;
	s4 =	sadd.s32 $0x1800, s0;
	s8 =	sor.u32 s1, s3  }
0x9: {  	s7 =	sadd.s32 $0x13FA00, s0;
	s1 =	ssub.s32 $0x2, s1;
	s6 =	smul.u32 $0x3200, s8  }
0xa: {  	_ =	strace $0x80000047;
	s9 =	sshrl.u32 s1, $0x1;
	s5 =	smul.u32 $0x19000, s8  }
0xb: {  	s3 =	sadd.s32 $0x65800, s0;
	s26 =	ssub.s32 s1, s9;
	s9 =	smul.u32 $0xC80000, s8  }
0xc: {  	s6 =	sadd.s32 s4, s6;
	s10 =	sor.u32 $0x80, s5;
	s0 =	smax.u32 s26, $0x1  }
0xd: {  	s11 =	sor.u32 $0x100, s5;
	s31 =	sadd.s32 $0x40, s6;
	[dreg:$0x3] =	wrdreg s0  }
0xe: {  	s12 =	sor.u32 $0x180, s5;
	s26 =	simm.s32 $0x5;
	[dreg:$0x2] =	wrdreg s31  }
.LBB2_1:
0xf: {  	[tilespmem:s2], [sflag:$0x7] =	stream.linear.gather [hbm4b:s6+s2], $0x200, $0x38;
	[tilespmem:$0x18600] =	vst v63  }
0x10: {  	_ =	swait.ge [sflag:s14], $0x200  }
0x11: {  	s1 =	simm.s32 $0x200;
	[sflag:s14] =	ssyncset.done $0x0  }
0x12: {  	s31 =	simm.s32 $0x0;
	s0 =	rddreg [dreg:$0x2];
	[sflag:s14] =	ssyncadd.s32 $0xFFFFFE00  }
0x13: {  	[tilespmem:s1], [sflag:$0x8] =	stream.linear.gather [hbm4b:s0+s2], $0x200, $0x38;
	[tilespmem:$0x18600] =	vst v63  }
.LBB2_2:
0x14: {  	s0 =	smul.u32 $0xAB, s31;
	_ =	sdelay $0x1  }
0x15: {  	s0 =	sshrl.u32 s0, $0x9  }
0x16: {  	s0 =	sand.u32 $0x7F, s0  }
0x17: {  	s0 =	smul.u32 $0x3, s0;
	_ =	sdelay $0x1  }
0x18: {  	s0 =	ssub.s32 s31, s0  }
0x19: {  	p0 =	seq.s32 s31, $0x0;
	s0 =	sand.u32 $0xFF, s0  }
0x1a: {  	s1 =	sadd.s32 @!p0 $0x7, s0  }
0x1b: {  	p1 =	sgt.u32 @!p0 s31, $0xC5;
	_ =	swait.ge @!p0 [sflag:s1], $0x200  }
0x1c: {  	p1 =	por p0, !p1;
	[sflag:s1] =	ssyncset.done @!p0 $0x0  }
0x1d: {  	[sflag:s1] =	ssyncadd.s32 @!p0 $0xFFFFFE00;
	s1 =	sadd.s32 @p1 $0x2, s31  }
0x1e: {  	s8 =	smul.u32 @p1 $0xAB, s1;
	_ =	sdelay $0x1  }
0x1f: {  	s8 =	sshrl.u32 @p1 s8, $0x9  }
0x20: {  	s15 =	sshll.u32 @p1 s1, $0x9;
	s8 =	sand.u32 @p1 $0x7F, s8  }
0x21: {  	s13 =	sshll.u32 @p1 s31, $0x9;
	s15 =	sadd.s32 @p1 s5, s15;
	s8 =	smul.u32 @p1 $0x3, s8  }
0x22: {  	s13 =	sand.u32 @p1 $0x200, s13;
	s15 =	sand.u32 @p1 $0x7FFC00, s15  }
0x23: {  	s13 =	sor.u32 @p1 s13, s15;
	s1 =	ssub.s32 @p1 s1, s8  }
0x24: {  	s8 =	sshrl.u32 @p1 s13, $0x3;
	s1 =	sand.u32 @p1 $0xFF, s1  }
0x25: {  	s8 =	sadd.s32 @p1 s4, s8;
	s13 =	sshll.u32 @p1 s1, $0x9;
	s1 =	sadd.s32 @p1 $0x7, s1  }
0x26: {  	[tilespmem:s13], [sflag:s1] =	stream.linear.gather @p1 [hbm4b:s8+s2], $0x200, $0x38;
	[tilespmem:$0x18600] =	vst v63  }
0x27: {  	s0 =	sshll.u32 s0, $0x9  }
0x28: {  	[tilespmem:s17], [sflag:$0x1] =	stream.indirect.gather [hbm4b:s3+s16], $0x80, s0, s16, $0xb8;
	[tilespmem:$0x18600] =	vst v63  }
0x29: {  	s8 =	sor.u32 $0x80, s0  }
0x2a: {  	[tilespmem:s18], [sflag:$0x2] =	stream.indirect.gather [hbm4b:s3+s16], $0x80, s8, s16, $0xb8;
	[tilespmem:$0x18600] =	vst v63  }
0x2b: {  	s13 =	sor.u32 $0x100, s0  }
0x2c: {  	[tilespmem:s19], [sflag:$0x3] =	stream.indirect.gather [hbm4b:s3+s16], $0x80, s13, s16, $0xb8;
	[tilespmem:$0x18600] =	vst v63  }
0x2d: {  	s0 =	sor.u32 $0x180, s0  }
0x2e: {  	[tilespmem:s20], [sflag:$0x4] =	stream.indirect.gather [hbm4b:s3+s16], $0x80, s0, s16, $0xb8;
	[tilespmem:$0x18600] =	vst v63  }
0x2f: {  	_ =	swait.ge [sflag:s21], $0x4000  }
0x30: {  	[sflag:s21] =	ssyncset.done $0x0  }
0x31: {  	s0 =	simm.s32 @!p0 $0x5;
	[sflag:s21] =	ssyncadd.s32 $0xFFFFC000  }
0x32: {  	_ =	swait.ge @!p0 [sflag:s0], $0x4000  }
0x33: {  	[sflag:s0] =	ssyncset.done @!p0 $0x0  }
0x34: {  	s15 =	simm.s32 $0x800;
	[sflag:s0] =	ssyncadd.s32 @!p0 $0xFFFFC000  }
0x35: {  	v0 =	vld [tilespmem:s15+$0x180]  }
0x36: {  	v1 =	vld [tilespmem:s15+$0xFFFFFE80]  }
0x37: {  	v2 =	vld [tilespmem:s15+$0xFFFFFF00]  }
0x38: {  	v3 =	vld [tilespmem:s15+$0xFFFFFF80]  }
0x39: {  	s0 =	simm.s32 $0x10800;
	v4 =	vld [tilespmem:s15+$0x0]  }
0x3a: {  	v5 =	vld [tilespmem:s15+$0x80];
	[tilespmem:s0+$0x180] =	vst v0  }
0x3b: {  	[tilespmem:s0+$0xFFFFFE80] =	vst v1;
	v1 =	vld [tilespmem:s15+$0x100]  }
0x3c: {  	[tilespmem:s0+$0xFFFFFF00] =	vst v2;
	v2 =	vld [tilespmem:s15+$0xFFFFFE00]  }
0x3d: {  	[tilespmem:s0+$0xFFFFFF80] =	vst v3;
	v0 =	vld [tilespmem:s15+$0x190]  }
0x3e: {  	[tilespmem:s0+$0x0] =	vst v4;
	v3 =	vld [tilespmem:s15+$0xFFFFFE90]  }
0x3f: {  	[tilespmem:s0+$0x80] =	vst v5;
	v4 =	vld [tilespmem:s15+$0xFFFFFF10]  }
0x40: {  	v5 =	vld [tilespmem:s15+$0xFFFFFF90];
	[tilespmem:s0+$0x100] =	vst v1  }
0x41: {  	[tilespmem:s0+$0xFFFFFE00] =	vst v2;
	v1 =	vld [tilespmem:s15+$0x10]  }
0x42: {  	[tilespmem:s0+$0x190] =	vst v0;
	v2 =	vld [tilespmem:s15+$0xFFFFFE10]  }
0x43: {  	[tilespmem:s0+$0xFFFFFE90] =	vst v3;
	v3 =	vld [tilespmem:s15+$0x90]  }
0x44: {  	[tilespmem:s0+$0xFFFFFF10] =	vst v4;
	v4 =	vld [tilespmem:s15+$0x110]  }
0x45: {  	[tilespmem:s0+$0xFFFFFF90] =	vst v5;
	v0 =	vld [tilespmem:s15+$0x1A0]  }
0x46: {  	v5 =	vld [tilespmem:s15+$0xFFFFFEA0];
	[tilespmem:s0+$0x10] =	vst v1  }
0x47: {  	v1 =	vld [tilespmem:s15+$0xFFFFFF20];
	[tilespmem:s0+$0xFFFFFE10] =	vst v2  }
0x48: {  	[tilespmem:s0+$0x90] =	vst v3;
	v3 =	vld [tilespmem:s15+$0xFFFFFFA0]  }
0x49: {  	[tilespmem:s0+$0x110] =	vst v4;
	v2 =	vld [tilespmem:s15+$0xFFFFFE20]  }
0x4a: {  	v4 =	vld [tilespmem:s15+$0x20];
	[tilespmem:s0+$0x1A0] =	vst v0  }
0x4b: {  	[tilespmem:s0+$0xFFFFFEA0] =	vst v5;
	v0 =	vld [tilespmem:s15+$0x1B0]  }
0x4c: {  	v5 =	vld [tilespmem:s15+$0xA0];
	[tilespmem:s0+$0xFFFFFF20] =	vst v1  }
0x4d: {  	v6 =	vld [tilespmem:s15+$0x120];
	[tilespmem:s0+$0xFFFFFFA0] =	vst v3  }
0x4e: {  	v7 =	vld [tilespmem:s15+$0xFFFFFEB0];
	[tilespmem:s0+$0xFFFFFE20] =	vst v2  }
0x4f: {  	[tilespmem:s0+$0x20] =	vst v4;
	v8 =	vld [tilespmem:s15+$0xFFFFFE30]  }
0x50: {  	[tilespmem:s0+$0x1B0] =	vst v0;
	v0 =	vld [tilespmem:s15+$0xFFFFFF30]  }
0x51: {  	v1 =	vld [tilespmem:s15+$0xFFFFFFB0];
	[tilespmem:s0+$0xA0] =	vst v5  }
0x52: {  	v2 =	vld [tilespmem:s15+$0x30];
	[tilespmem:s0+$0x120] =	vst v6  }
0x53: {  	[tilespmem:s0+$0xFFFFFEB0] =	vst v7;
	v3 =	vld [tilespmem:s15+$0xB0]  }
0x54: {  	s1 =	simm.s32 $0x0;
	v4 =	vld [tilespmem:s15+$0x130];
	s15 =	simm.s32 $0xC00;
	[tilespmem:s0+$0xFFFFFE30] =	vst v8  }
.LBB2_3:
0x55: {  	v5 =	vld [tilespmem:s15+$0x180];
	s1 =	sadd.s32 $0x8, s1;
	[tilespmem:s0+$0xFFFFFF30] =	vst v0  }
0x56: {  	v0 =	vld [tilespmem:s15+$0xFFFFFE80];
	p1 =	slt.u32 s1, $0x78;
	[tilespmem:s0+$0xFFFFFFB0] =	vst v1  }
0x57: {  	v1 =	vld [tilespmem:s15+$0xFFFFFF00];
	[tilespmem:s0+$0x30] =	vst v2  }
0x58: {  	v2 =	vld [tilespmem:s15+$0xFFFFFF80];
	[tilespmem:s0+$0xB0] =	vst v3  }
0x59: {  	v3 =	vld [tilespmem:s15+$0x0];
	[tilespmem:s0+$0x130] =	vst v4;
	s0 =	sadd.s32 $0x400, s0  }
0x5a: {  	v4 =	vld [tilespmem:s15+$0x80];
	[tilespmem:s0+$0x180] =	vst v5  }
0x5b: {  	[tilespmem:s0+$0xFFFFFE80] =	vst v0;
	v0 =	vld [tilespmem:s15+$0x190]  }
0x5c: {  	[tilespmem:s0+$0xFFFFFF00] =	vst v1;
	v1 =	vld [tilespmem:s15+$0x100]  }
0x5d: {  	v5 =	vld [tilespmem:s15+$0xFFFFFE00];
	[tilespmem:s0+$0xFFFFFF80] =	vst v2  }
0x5e: {  	v2 =	vld [tilespmem:s15+$0xFFFFFE90];
	[tilespmem:s0+$0x0] =	vst v3  }
0x5f: {  	v3 =	vld [tilespmem:s15+$0xFFFFFF10];
	[tilespmem:s0+$0x80] =	vst v4  }
0x60: {  	v4 =	vld [tilespmem:s15+$0xFFFFFF90];
	[tilespmem:s0+$0x190] =	vst v0  }
0x61: {  	[tilespmem:s0+$0x100] =	vst v1;
	v0 =	vld [tilespmem:s15+$0x1A0]  }
0x62: {  	[tilespmem:s0+$0xFFFFFE00] =	vst v5;
	v1 =	vld [tilespmem:s15+$0x10]  }
0x63: {  	v5 =	vld [tilespmem:s15+$0xFFFFFE10];
	[tilespmem:s0+$0xFFFFFE90] =	vst v2  }
0x64: {  	[tilespmem:s0+$0xFFFFFF10] =	vst v3;
	v2 =	vld [tilespmem:s15+$0x90]  }
0x65: {  	[tilespmem:s0+$0xFFFFFF90] =	vst v4;
	v3 =	vld [tilespmem:s15+$0x110]  }
0x66: {  	v4 =	vld [tilespmem:s15+$0xFFFFFEA0];
	[tilespmem:s0+$0x1A0] =	vst v0  }
0x67: {  	[tilespmem:s0+$0x10] =	vst v1;
	v0 =	vld [tilespmem:s15+$0x1B0]  }
0x68: {  	[tilespmem:s0+$0xFFFFFE10] =	vst v5;
	v1 =	vld [tilespmem:s15+$0xFFFFFF20]  }
0x69: {  	v5 =	vld [tilespmem:s15+$0xFFFFFE20];
	[tilespmem:s0+$0x90] =	vst v2  }
0x6a: {  	v2 =	vld [tilespmem:s15+$0xFFFFFFA0];
	[tilespmem:s0+$0x110] =	vst v3  }
0x6b: {  	[tilespmem:s0+$0xFFFFFEA0] =	vst v4;
	v3 =	vld [tilespmem:s15+$0x20]  }
0x6c: {  	v4 =	vld [tilespmem:s15+$0xA0];
	[tilespmem:s0+$0x1B0] =	vst v0  }
0x6d: {  	[tilespmem:s0+$0xFFFFFF20] =	vst v1;
	v6 =	vld [tilespmem:s15+$0x120]  }
0x6e: {  	[tilespmem:s0+$0xFFFFFE20] =	vst v5;
	v5 =	vld [tilespmem:s15+$0xFFFFFEB0]  }
0x6f: {  	v7 =	vld [tilespmem:s15+$0xFFFFFE30];
	[tilespmem:s0+$0xFFFFFFA0] =	vst v2  }
.Ltmp0:
0x70: {  	v0 =	vld [tilespmem:s15+$0xFFFFFF30];
	[tilespmem:s0+$0x20] =	vst v3;
	(pc) =	sbr.rel @p1 .LBB2_3-.Ltmp0, $4  }
0x71: {  	v1 =	vld [tilespmem:s15+$0xFFFFFFB0];
	[tilespmem:s0+$0xA0] =	vst v4  }
0x72: {  	v2 =	vld [tilespmem:s15+$0x30];
	[tilespmem:s0+$0x120] =	vst v6  }
0x73: {  	[tilespmem:s0+$0xFFFFFEB0] =	vst v5;
	v3 =	vld [tilespmem:s15+$0xB0]  }
0x74: {  	[tilespmem:s0+$0xFFFFFE30] =	vst v7;
	v4 =	vld [tilespmem:s15+$0x130];
	s15 =	sadd.s32 $0x400, s15  }
0x75: {  	[tilespmem:s0+$0xFFFFFF30] =	vst v0  }
0x76: {  	s1 =	sshll.u32 s31, $0x10;
	[tilespmem:s0+$0xFFFFFFB0] =	vst v1  }
0x77: {  	s1 =	sadd.s32 s9, s1;
	[tilespmem:s0+$0x30] =	vst v2  }
0x78: {  	s1 =	sshrl.u32 s1, $0x3;
	[tilespmem:s0+$0xB0] =	vst v3  }
0x79: {  	s15 =	sadd.s32 s7, s1;
	[tilespmem:s0+$0x130] =	vst v4  }
0x7a: {  	[hbm4b:s15+s2] =	stream.linear.scatter [tilespmem:s22], [sflag:$0x5], $0x4000, $0x38;
	[tilespmem:$0x18600] =	vst v63  }
0x7b: {  	_ =	swait.ge [sflag:s23], $0x4000  }
0x7c: {  	[sflag:s23] =	ssyncset.done $0x0  }
0x7d: {  	s0 =	simm.s32 @!p0 $0x6;
	[sflag:s23] =	ssyncadd.s32 $0xFFFFC000  }
0x7e: {  	_ =	swait.ge @!p0 [sflag:s0], $0x4000  }
0x7f: {  	[sflag:s0] =	ssyncset.done @!p0 $0x0  }
0x80: {  	s8 =	simm.s32 $0x4800;
	[sflag:s0] =	ssyncadd.s32 @!p0 $0xFFFFC000  }
0x81: {  	v0 =	vld [tilespmem:s8+$0x180]  }
0x82: {  	v1 =	vld [tilespmem:s8+$0xFFFFFE80]  }
0x83: {  	v2 =	vld [tilespmem:s8+$0xFFFFFF00]  }
0x84: {  	v3 =	vld [tilespmem:s8+$0xFFFFFF80]  }
0x85: {  	s1 =	simm.s32 $0x14800;
	v4 =	vld [tilespmem:s8+$0x0]  }
0x86: {  	v5 =	vld [tilespmem:s8+$0x80];
	[tilespmem:s1+$0x180] =	vst v0  }
0x87: {  	[tilespmem:s1+$0xFFFFFE80] =	vst v1;
	v1 =	vld [tilespmem:s8+$0x100]  }
0x88: {  	[tilespmem:s1+$0xFFFFFF00] =	vst v2;
	v2 =	vld [tilespmem:s8+$0xFFFFFE00]  }
0x89: {  	[tilespmem:s1+$0xFFFFFF80] =	vst v3;
	v0 =	vld [tilespmem:s8+$0x190]  }
0x8a: {  	[tilespmem:s1+$0x0] =	vst v4;
	v3 =	vld [tilespmem:s8+$0xFFFFFE90]  }
0x8b: {  	[tilespmem:s1+$0x80] =	vst v5;
	v4 =	vld [tilespmem:s8+$0xFFFFFF10]  }
0x8c: {  	v5 =	vld [tilespmem:s8+$0xFFFFFF90];
	[tilespmem:s1+$0x100] =	vst v1  }
0x8d: {  	[tilespmem:s1+$0xFFFFFE00] =	vst v2;
	v1 =	vld [tilespmem:s8+$0x10]  }
0x8e: {  	[tilespmem:s1+$0x190] =	vst v0;
	v2 =	vld [tilespmem:s8+$0xFFFFFE10]  }
0x8f: {  	[tilespmem:s1+$0xFFFFFE90] =	vst v3;
	v3 =	vld [tilespmem:s8+$0x90]  }
0x90: {  	[tilespmem:s1+$0xFFFFFF10] =	vst v4;
	v4 =	vld [tilespmem:s8+$0x110]  }
0x91: {  	[tilespmem:s1+$0xFFFFFF90] =	vst v5;
	v0 =	vld [tilespmem:s8+$0x1A0]  }
0x92: {  	v5 =	vld [tilespmem:s8+$0xFFFFFEA0];
	[tilespmem:s1+$0x10] =	vst v1  }
0x93: {  	v1 =	vld [tilespmem:s8+$0xFFFFFF20];
	[tilespmem:s1+$0xFFFFFE10] =	vst v2  }
0x94: {  	[tilespmem:s1+$0x90] =	vst v3;
	v3 =	vld [tilespmem:s8+$0xFFFFFFA0]  }
0x95: {  	[tilespmem:s1+$0x110] =	vst v4;
	v2 =	vld [tilespmem:s8+$0xFFFFFE20]  }
0x96: {  	v4 =	vld [tilespmem:s8+$0x20];
	[tilespmem:s1+$0x1A0] =	vst v0  }
0x97: {  	[tilespmem:s1+$0xFFFFFEA0] =	vst v5;
	v0 =	vld [tilespmem:s8+$0x1B0]  }
0x98: {  	v5 =	vld [tilespmem:s8+$0xA0];
	[tilespmem:s1+$0xFFFFFF20] =	vst v1  }
0x99: {  	v6 =	vld [tilespmem:s8+$0x120];
	[tilespmem:s1+$0xFFFFFFA0] =	vst v3  }
0x9a: {  	v7 =	vld [tilespmem:s8+$0xFFFFFEB0];
	[tilespmem:s1+$0xFFFFFE20] =	vst v2  }
0x9b: {  	[tilespmem:s1+$0x20] =	vst v4;
	v8 =	vld [tilespmem:s8+$0xFFFFFE30]  }
0x9c: {  	[tilespmem:s1+$0x1B0] =	vst v0;
	v0 =	vld [tilespmem:s8+$0xFFFFFF30]  }
0x9d: {  	v1 =	vld [tilespmem:s8+$0xFFFFFFB0];
	[tilespmem:s1+$0xA0] =	vst v5  }
0x9e: {  	v2 =	vld [tilespmem:s8+$0x30];
	[tilespmem:s1+$0x120] =	vst v6  }
0x9f: {  	[tilespmem:s1+$0xFFFFFEB0] =	vst v7;
	v3 =	vld [tilespmem:s8+$0xB0]  }
0xa0: {  	s15 =	simm.s32 $0x4C00;
	s0 =	simm.s32 $0x0;
	v4 =	vld [tilespmem:s8+$0x130];
	[tilespmem:s1+$0xFFFFFE30] =	vst v8  }
.LBB2_5:
0xa1: {  	v5 =	vld [tilespmem:s15+$0x180];
	s0 =	sadd.s32 $0x8, s0;
	[tilespmem:s1+$0xFFFFFF30] =	vst v0  }
0xa2: {  	v0 =	vld [tilespmem:s15+$0xFFFFFE80];
	p0 =	slt.u32 s0, $0x78;
	[tilespmem:s1+$0xFFFFFFB0] =	vst v1  }
0xa3: {  	v1 =	vld [tilespmem:s15+$0xFFFFFF00];
	[tilespmem:s1+$0x30] =	vst v2  }
0xa4: {  	v2 =	vld [tilespmem:s15+$0xFFFFFF80];
	[tilespmem:s1+$0xB0] =	vst v3  }
0xa5: {  	v3 =	vld [tilespmem:s15+$0x0];
	[tilespmem:s1+$0x130] =	vst v4;
	s1 =	sadd.s32 $0x400, s1  }
0xa6: {  	v4 =	vld [tilespmem:s15+$0x80];
	[tilespmem:s1+$0x180] =	vst v5  }
0xa7: {  	[tilespmem:s1+$0xFFFFFE80] =	vst v0;
	v0 =	vld [tilespmem:s15+$0x190]  }
0xa8: {  	[tilespmem:s1+$0xFFFFFF00] =	vst v1;
	v1 =	vld [tilespmem:s15+$0x100]  }
0xa9: {  	v5 =	vld [tilespmem:s15+$0xFFFFFE00];
	[tilespmem:s1+$0xFFFFFF80] =	vst v2  }
0xaa: {  	v2 =	vld [tilespmem:s15+$0xFFFFFE90];
	[tilespmem:s1+$0x0] =	vst v3  }
0xab: {  	v3 =	vld [tilespmem:s15+$0xFFFFFF10];
	[tilespmem:s1+$0x80] =	vst v4  }
0xac: {  	v4 =	vld [tilespmem:s15+$0xFFFFFF90];
	[tilespmem:s1+$0x190] =	vst v0  }
0xad: {  	[tilespmem:s1+$0x100] =	vst v1;
	v0 =	vld [tilespmem:s15+$0x1A0]  }
0xae: {  	[tilespmem:s1+$0xFFFFFE00] =	vst v5;
	v1 =	vld [tilespmem:s15+$0x10]  }
0xaf: {  	v5 =	vld [tilespmem:s15+$0xFFFFFE10];
	[tilespmem:s1+$0xFFFFFE90] =	vst v2  }
0xb0: {  	[tilespmem:s1+$0xFFFFFF10] =	vst v3;
	v2 =	vld [tilespmem:s15+$0x90]  }
0xb1: {  	[tilespmem:s1+$0xFFFFFF90] =	vst v4;
	v3 =	vld [tilespmem:s15+$0x110]  }
0xb2: {  	v4 =	vld [tilespmem:s15+$0xFFFFFEA0];
	[tilespmem:s1+$0x1A0] =	vst v0  }
0xb3: {  	[tilespmem:s1+$0x10] =	vst v1;
	v0 =	vld [tilespmem:s15+$0x1B0]  }
0xb4: {  	[tilespmem:s1+$0xFFFFFE10] =	vst v5;
	v1 =	vld [tilespmem:s15+$0xFFFFFF20]  }
0xb5: {  	v5 =	vld [tilespmem:s15+$0xFFFFFE20];
	[tilespmem:s1+$0x90] =	vst v2  }
0xb6: {  	v2 =	vld [tilespmem:s15+$0xFFFFFFA0];
	[tilespmem:s1+$0x110] =	vst v3  }
0xb7: {  	[tilespmem:s1+$0xFFFFFEA0] =	vst v4;
	v3 =	vld [tilespmem:s15+$0x20]  }
0xb8: {  	v4 =	vld [tilespmem:s15+$0xA0];
	[tilespmem:s1+$0x1B0] =	vst v0  }
0xb9: {  	[tilespmem:s1+$0xFFFFFF20] =	vst v1;
	v6 =	vld [tilespmem:s15+$0x120]  }
0xba: {  	[tilespmem:s1+$0xFFFFFE20] =	vst v5;
	v5 =	vld [tilespmem:s15+$0xFFFFFEB0]  }
0xbb: {  	v7 =	vld [tilespmem:s15+$0xFFFFFE30];
	[tilespmem:s1+$0xFFFFFFA0] =	vst v2  }
.Ltmp1:
0xbc: {  	v0 =	vld [tilespmem:s15+$0xFFFFFF30];
	[tilespmem:s1+$0x20] =	vst v3;
	(pc) =	sbr.rel @p0 .LBB2_5-.Ltmp1, $4  }
0xbd: {  	v1 =	vld [tilespmem:s15+$0xFFFFFFB0];
	[tilespmem:s1+$0xA0] =	vst v4  }
0xbe: {  	v2 =	vld [tilespmem:s15+$0x30];
	[tilespmem:s1+$0x120] =	vst v6  }
0xbf: {  	[tilespmem:s1+$0xFFFFFEB0] =	vst v5;
	v3 =	vld [tilespmem:s15+$0xB0]  }
0xc0: {  	[tilespmem:s1+$0xFFFFFE30] =	vst v7;
	v4 =	vld [tilespmem:s15+$0x130];
	s15 =	sadd.s32 $0x400, s15  }
0xc1: {  	[tilespmem:s1+$0xFFFFFF30] =	vst v0  }
0xc2: {  	s0 =	sshll.u32 s31, $0x9;
	[tilespmem:s1+$0xFFFFFFB0] =	vst v1  }
0xc3: {  	s8 =	sadd.s32 s0, s10;
	[tilespmem:s1+$0x30] =	vst v2  }
0xc4: {  	s8 =	sshll.u32 s8, $0x4;
	[tilespmem:s1+$0xB0] =	vst v3  }
0xc5: {  	s8 =	sadd.s32 s7, s8;
	[tilespmem:s1+$0x130] =	vst v4  }
0xc6: {  	[hbm4b:s8+s2] =	stream.linear.scatter [tilespmem:s24], [sflag:$0x6], $0x4000, $0x38;
	[tilespmem:$0x18600] =	vst v63  }
0xc7: {  	_ =	swait.ge [sflag:s25], $0x4000  }
0xc8: {  	[sflag:s25] =	ssyncset.done $0x0  }
0xc9: {  	[sflag:s25] =	ssyncadd.s32 $0xFFFFC000  }
0xca: {  	_ =	swait.ge [sflag:s26], $0x4000  }
0xcb: {  	[sflag:s26] =	ssyncset.done $0x0  }
0xcc: {  	s13 =	simm.s32 $0x8800;
	[sflag:s26] =	ssyncadd.s32 $0xFFFFC000  }
0xcd: {  	v0 =	vld [tilespmem:s13+$0x180]  }
0xce: {  	v1 =	vld [tilespmem:s13+$0xFFFFFE80]  }
0xcf: {  	v2 =	vld [tilespmem:s13+$0xFFFFFF00]  }
0xd0: {  	v3 =	vld [tilespmem:s13+$0xFFFFFF80]  }
0xd1: {  	s1 =	simm.s32 $0x10800;
	v4 =	vld [tilespmem:s13+$0x0]  }
0xd2: {  	v5 =	vld [tilespmem:s13+$0x80];
	[tilespmem:s1+$0x180] =	vst v0  }
0xd3: {  	[tilespmem:s1+$0xFFFFFE80] =	vst v1;
	v1 =	vld [tilespmem:s13+$0x100]  }
0xd4: {  	[tilespmem:s1+$0xFFFFFF00] =	vst v2;
	v2 =	vld [tilespmem:s13+$0xFFFFFE00]  }
0xd5: {  	[tilespmem:s1+$0xFFFFFF80] =	vst v3;
	v0 =	vld [tilespmem:s13+$0x190]  }
0xd6: {  	[tilespmem:s1+$0x0] =	vst v4;
	v3 =	vld [tilespmem:s13+$0xFFFFFE90]  }
0xd7: {  	[tilespmem:s1+$0x80] =	vst v5;
	v4 =	vld [tilespmem:s13+$0xFFFFFF10]  }
0xd8: {  	v5 =	vld [tilespmem:s13+$0xFFFFFF90];
	[tilespmem:s1+$0x100] =	vst v1  }
0xd9: {  	[tilespmem:s1+$0xFFFFFE00] =	vst v2;
	v1 =	vld [tilespmem:s13+$0x10]  }
0xda: {  	[tilespmem:s1+$0x190] =	vst v0;
	v2 =	vld [tilespmem:s13+$0xFFFFFE10]  }
0xdb: {  	[tilespmem:s1+$0xFFFFFE90] =	vst v3;
	v3 =	vld [tilespmem:s13+$0x90]  }
0xdc: {  	[tilespmem:s1+$0xFFFFFF10] =	vst v4;
	v4 =	vld [tilespmem:s13+$0x110]  }
0xdd: {  	[tilespmem:s1+$0xFFFFFF90] =	vst v5;
	v0 =	vld [tilespmem:s13+$0x1A0]  }
0xde: {  	v5 =	vld [tilespmem:s13+$0xFFFFFEA0];
	[tilespmem:s1+$0x10] =	vst v1  }
0xdf: {  	v1 =	vld [tilespmem:s13+$0xFFFFFF20];
	[tilespmem:s1+$0xFFFFFE10] =	vst v2  }
0xe0: {  	[tilespmem:s1+$0x90] =	vst v3;
	v3 =	vld [tilespmem:s13+$0xFFFFFFA0]  }
0xe1: {  	[tilespmem:s1+$0x110] =	vst v4;
	v2 =	vld [tilespmem:s13+$0xFFFFFE20]  }
0xe2: {  	v4 =	vld [tilespmem:s13+$0x20];
	[tilespmem:s1+$0x1A0] =	vst v0  }
0xe3: {  	[tilespmem:s1+$0xFFFFFEA0] =	vst v5;
	v0 =	vld [tilespmem:s13+$0x1B0]  }
0xe4: {  	v5 =	vld [tilespmem:s13+$0xA0];
	[tilespmem:s1+$0xFFFFFF20] =	vst v1  }
0xe5: {  	v6 =	vld [tilespmem:s13+$0x120];
	[tilespmem:s1+$0xFFFFFFA0] =	vst v3  }
0xe6: {  	v7 =	vld [tilespmem:s13+$0xFFFFFEB0];
	[tilespmem:s1+$0xFFFFFE20] =	vst v2  }
0xe7: {  	[tilespmem:s1+$0x20] =	vst v4;
	v8 =	vld [tilespmem:s13+$0xFFFFFE30]  }
0xe8: {  	[tilespmem:s1+$0x1B0] =	vst v0;
	v0 =	vld [tilespmem:s13+$0xFFFFFF30]  }
0xe9: {  	v1 =	vld [tilespmem:s13+$0xFFFFFFB0];
	[tilespmem:s1+$0xA0] =	vst v5  }
0xea: {  	v2 =	vld [tilespmem:s13+$0x30];
	[tilespmem:s1+$0x120] =	vst v6  }
0xeb: {  	[tilespmem:s1+$0xFFFFFEB0] =	vst v7;
	v3 =	vld [tilespmem:s13+$0xB0]  }
0xec: {  	s15 =	simm.s32 $0x0;
	s8 =	simm.s32 $0x8C00;
	v4 =	vld [tilespmem:s13+$0x130];
	[tilespmem:s1+$0xFFFFFE30] =	vst v8  }
.LBB2_7:
0xed: {  	v5 =	vld [tilespmem:s8+$0x180];
	s15 =	sadd.s32 $0x8, s15;
	[tilespmem:s1+$0xFFFFFF30] =	vst v0  }
0xee: {  	v0 =	vld [tilespmem:s8+$0xFFFFFE80];
	p0 =	slt.u32 s15, $0x78;
	[tilespmem:s1+$0xFFFFFFB0] =	vst v1  }
0xef: {  	v1 =	vld [tilespmem:s8+$0xFFFFFF00];
	[tilespmem:s1+$0x30] =	vst v2  }
0xf0: {  	v2 =	vld [tilespmem:s8+$0xFFFFFF80];
	[tilespmem:s1+$0xB0] =	vst v3  }
0xf1: {  	v3 =	vld [tilespmem:s8+$0x0];
	[tilespmem:s1+$0x130] =	vst v4;
	s1 =	sadd.s32 $0x400, s1  }
0xf2: {  	v4 =	vld [tilespmem:s8+$0x80];
	[tilespmem:s1+$0x180] =	vst v5  }
0xf3: {  	[tilespmem:s1+$0xFFFFFE80] =	vst v0;
	v0 =	vld [tilespmem:s8+$0x190]  }
0xf4: {  	[tilespmem:s1+$0xFFFFFF00] =	vst v1;
	v1 =	vld [tilespmem:s8+$0x100]  }
0xf5: {  	v5 =	vld [tilespmem:s8+$0xFFFFFE00];
	[tilespmem:s1+$0xFFFFFF80] =	vst v2  }
0xf6: {  	v2 =	vld [tilespmem:s8+$0xFFFFFE90];
	[tilespmem:s1+$0x0] =	vst v3  }
0xf7: {  	v3 =	vld [tilespmem:s8+$0xFFFFFF10];
	[tilespmem:s1+$0x80] =	vst v4  }
0xf8: {  	v4 =	vld [tilespmem:s8+$0xFFFFFF90];
	[tilespmem:s1+$0x190] =	vst v0  }
0xf9: {  	[tilespmem:s1+$0x100] =	vst v1;
	v0 =	vld [tilespmem:s8+$0x1A0]  }
0xfa: {  	[tilespmem:s1+$0xFFFFFE00] =	vst v5;
	v1 =	vld [tilespmem:s8+$0x10]  }
0xfb: {  	v5 =	vld [tilespmem:s8+$0xFFFFFE10];
	[tilespmem:s1+$0xFFFFFE90] =	vst v2  }
0xfc: {  	[tilespmem:s1+$0xFFFFFF10] =	vst v3;
	v2 =	vld [tilespmem:s8+$0x90]  }
0xfd: {  	[tilespmem:s1+$0xFFFFFF90] =	vst v4;
	v3 =	vld [tilespmem:s8+$0x110]  }
0xfe: {  	v4 =	vld [tilespmem:s8+$0xFFFFFEA0];
	[tilespmem:s1+$0x1A0] =	vst v0  }
0xff: {  	[tilespmem:s1+$0x10] =	vst v1;
	v0 =	vld [tilespmem:s8+$0x1B0]  }
0x100: {  	[tilespmem:s1+$0xFFFFFE10] =	vst v5;
	v1 =	vld [tilespmem:s8+$0xFFFFFF20]  }
0x101: {  	v5 =	vld [tilespmem:s8+$0xFFFFFE20];
	[tilespmem:s1+$0x90] =	vst v2  }
0x102: {  	v2 =	vld [tilespmem:s8+$0xFFFFFFA0];
	[tilespmem:s1+$0x110] =	vst v3  }
0x103: {  	[tilespmem:s1+$0xFFFFFEA0] =	vst v4;
	v3 =	vld [tilespmem:s8+$0x20]  }
0x104: {  	v4 =	vld [tilespmem:s8+$0xA0];
	[tilespmem:s1+$0x1B0] =	vst v0  }
0x105: {  	[tilespmem:s1+$0xFFFFFF20] =	vst v1;
	v6 =	vld [tilespmem:s8+$0x120]  }
0x106: {  	[tilespmem:s1+$0xFFFFFE20] =	vst v5;
	v5 =	vld [tilespmem:s8+$0xFFFFFEB0]  }
0x107: {  	v7 =	vld [tilespmem:s8+$0xFFFFFE30];
	[tilespmem:s1+$0xFFFFFFA0] =	vst v2  }
.Ltmp2:
0x108: {  	v0 =	vld [tilespmem:s8+$0xFFFFFF30];
	[tilespmem:s1+$0x20] =	vst v3;
	(pc) =	sbr.rel @p0 .LBB2_7-.Ltmp2, $4  }
0x109: {  	v1 =	vld [tilespmem:s8+$0xFFFFFFB0];
	[tilespmem:s1+$0xA0] =	vst v4  }
0x10a: {  	v2 =	vld [tilespmem:s8+$0x30];
	[tilespmem:s1+$0x120] =	vst v6  }
0x10b: {  	[tilespmem:s1+$0xFFFFFEB0] =	vst v5;
	v3 =	vld [tilespmem:s8+$0xB0]  }
0x10c: {  	[tilespmem:s1+$0xFFFFFE30] =	vst v7;
	v4 =	vld [tilespmem:s8+$0x130];
	s8 =	sadd.s32 $0x400, s8  }
0x10d: {  	[tilespmem:s1+$0xFFFFFF30] =	vst v0  }
0x10e: {  	[tilespmem:s1+$0xFFFFFFB0] =	vst v1  }
0x10f: {  	s8 =	sadd.s32 s0, s11;
	[tilespmem:s1+$0x30] =	vst v2  }
0x110: {  	s8 =	sshll.u32 s8, $0x4;
	[tilespmem:s1+$0xB0] =	vst v3  }
0x111: {  	s8 =	sadd.s32 s7, s8;
	[tilespmem:s1+$0x130] =	vst v4  }
0x112: {  	[hbm4b:s8+s2] =	stream.linear.scatter [tilespmem:s22], [sflag:$0x5], $0x4000, $0x38;
	[tilespmem:$0x18600] =	vst v63  }
0x113: {  	_ =	swait.ge [sflag:s28], $0x4000  }
0x114: {  	[sflag:s28] =	ssyncset.done $0x0  }
0x115: {  	[sflag:s28] =	ssyncadd.s32 $0xFFFFC000  }
0x116: {  	_ =	swait.ge [sflag:s29], $0x4000  }
0x117: {  	[sflag:s29] =	ssyncset.done $0x0  }
0x118: {  	s13 =	simm.s32 $0xC800;
	[sflag:s29] =	ssyncadd.s32 $0xFFFFC000  }
0x119: {  	v0 =	vld [tilespmem:s13+$0x180]  }
0x11a: {  	v1 =	vld [tilespmem:s13+$0xFFFFFE80]  }
0x11b: {  	v2 =	vld [tilespmem:s13+$0xFFFFFF00]  }
0x11c: {  	v3 =	vld [tilespmem:s13+$0xFFFFFF80]  }
0x11d: {  	s1 =	simm.s32 $0x14800;
	v4 =	vld [tilespmem:s13+$0x0]  }
0x11e: {  	v5 =	vld [tilespmem:s13+$0x80];
	[tilespmem:s1+$0x180] =	vst v0  }
0x11f: {  	[tilespmem:s1+$0xFFFFFE80] =	vst v1;
	v1 =	vld [tilespmem:s13+$0x100]  }
0x120: {  	[tilespmem:s1+$0xFFFFFF00] =	vst v2;
	v2 =	vld [tilespmem:s13+$0xFFFFFE00]  }
0x121: {  	[tilespmem:s1+$0xFFFFFF80] =	vst v3;
	v0 =	vld [tilespmem:s13+$0x190]  }
0x122: {  	[tilespmem:s1+$0x0] =	vst v4;
	v3 =	vld [tilespmem:s13+$0xFFFFFE90]  }
0x123: {  	[tilespmem:s1+$0x80] =	vst v5;
	v4 =	vld [tilespmem:s13+$0xFFFFFF10]  }
0x124: {  	v5 =	vld [tilespmem:s13+$0xFFFFFF90];
	[tilespmem:s1+$0x100] =	vst v1  }
0x125: {  	[tilespmem:s1+$0xFFFFFE00] =	vst v2;
	v1 =	vld [tilespmem:s13+$0x10]  }
0x126: {  	[tilespmem:s1+$0x190] =	vst v0;
	v2 =	vld [tilespmem:s13+$0xFFFFFE10]  }
0x127: {  	[tilespmem:s1+$0xFFFFFE90] =	vst v3;
	v3 =	vld [tilespmem:s13+$0x90]  }
0x128: {  	[tilespmem:s1+$0xFFFFFF10] =	vst v4;
	v4 =	vld [tilespmem:s13+$0x110]  }
0x129: {  	[tilespmem:s1+$0xFFFFFF90] =	vst v5;
	v0 =	vld [tilespmem:s13+$0x1A0]  }
0x12a: {  	v5 =	vld [tilespmem:s13+$0xFFFFFEA0];
	[tilespmem:s1+$0x10] =	vst v1  }
0x12b: {  	v1 =	vld [tilespmem:s13+$0xFFFFFF20];
	[tilespmem:s1+$0xFFFFFE10] =	vst v2  }
0x12c: {  	[tilespmem:s1+$0x90] =	vst v3;
	v3 =	vld [tilespmem:s13+$0xFFFFFFA0]  }
0x12d: {  	[tilespmem:s1+$0x110] =	vst v4;
	v2 =	vld [tilespmem:s13+$0xFFFFFE20]  }
0x12e: {  	v4 =	vld [tilespmem:s13+$0x20];
	[tilespmem:s1+$0x1A0] =	vst v0  }
0x12f: {  	[tilespmem:s1+$0xFFFFFEA0] =	vst v5;
	v0 =	vld [tilespmem:s13+$0x1B0]  }
0x130: {  	v5 =	vld [tilespmem:s13+$0xA0];
	[tilespmem:s1+$0xFFFFFF20] =	vst v1  }
0x131: {  	v6 =	vld [tilespmem:s13+$0x120];
	[tilespmem:s1+$0xFFFFFFA0] =	vst v3  }
0x132: {  	v7 =	vld [tilespmem:s13+$0xFFFFFEB0];
	[tilespmem:s1+$0xFFFFFE20] =	vst v2  }
0x133: {  	[tilespmem:s1+$0x20] =	vst v4;
	v8 =	vld [tilespmem:s13+$0xFFFFFE30]  }
0x134: {  	[tilespmem:s1+$0x1B0] =	vst v0;
	v0 =	vld [tilespmem:s13+$0xFFFFFF30]  }
0x135: {  	v1 =	vld [tilespmem:s13+$0xFFFFFFB0];
	[tilespmem:s1+$0xA0] =	vst v5  }
0x136: {  	v2 =	vld [tilespmem:s13+$0x30];
	[tilespmem:s1+$0x120] =	vst v6  }
0x137: {  	[tilespmem:s1+$0xFFFFFEB0] =	vst v7;
	v3 =	vld [tilespmem:s13+$0xB0]  }
0x138: {  	s15 =	simm.s32 $0x0;
	s8 =	simm.s32 $0xCC00;
	v4 =	vld [tilespmem:s13+$0x130];
	[tilespmem:s1+$0xFFFFFE30] =	vst v8  }
.LBB2_9:
0x139: {  	v5 =	vld [tilespmem:s8+$0x180];
	s15 =	sadd.s32 $0x8, s15;
	[tilespmem:s1+$0xFFFFFF30] =	vst v0  }
0x13a: {  	v0 =	vld [tilespmem:s8+$0xFFFFFE80];
	p0 =	slt.u32 s15, $0x78;
	[tilespmem:s1+$0xFFFFFFB0] =	vst v1  }
0x13b: {  	v1 =	vld [tilespmem:s8+$0xFFFFFF00];
	[tilespmem:s1+$0x30] =	vst v2  }
0x13c: {  	v2 =	vld [tilespmem:s8+$0xFFFFFF80];
	[tilespmem:s1+$0xB0] =	vst v3  }
0x13d: {  	v3 =	vld [tilespmem:s8+$0x0];
	[tilespmem:s1+$0x130] =	vst v4;
	s1 =	sadd.s32 $0x400, s1  }
0x13e: {  	v4 =	vld [tilespmem:s8+$0x80];
	[tilespmem:s1+$0x180] =	vst v5  }
0x13f: {  	[tilespmem:s1+$0xFFFFFE80] =	vst v0;
	v0 =	vld [tilespmem:s8+$0x190]  }
0x140: {  	[tilespmem:s1+$0xFFFFFF00] =	vst v1;
	v1 =	vld [tilespmem:s8+$0x100]  }
0x141: {  	v5 =	vld [tilespmem:s8+$0xFFFFFE00];
	[tilespmem:s1+$0xFFFFFF80] =	vst v2  }
0x142: {  	v2 =	vld [tilespmem:s8+$0xFFFFFE90];
	[tilespmem:s1+$0x0] =	vst v3  }
0x143: {  	v3 =	vld [tilespmem:s8+$0xFFFFFF10];
	[tilespmem:s1+$0x80] =	vst v4  }
0x144: {  	v4 =	vld [tilespmem:s8+$0xFFFFFF90];
	[tilespmem:s1+$0x190] =	vst v0  }
0x145: {  	[tilespmem:s1+$0x100] =	vst v1;
	v0 =	vld [tilespmem:s8+$0x1A0]  }
0x146: {  	[tilespmem:s1+$0xFFFFFE00] =	vst v5;
	v1 =	vld [tilespmem:s8+$0x10]  }
0x147: {  	v5 =	vld [tilespmem:s8+$0xFFFFFE10];
	[tilespmem:s1+$0xFFFFFE90] =	vst v2  }
0x148: {  	[tilespmem:s1+$0xFFFFFF10] =	vst v3;
	v2 =	vld [tilespmem:s8+$0x90]  }
0x149: {  	[tilespmem:s1+$0xFFFFFF90] =	vst v4;
	v3 =	vld [tilespmem:s8+$0x110]  }
0x14a: {  	v4 =	vld [tilespmem:s8+$0xFFFFFEA0];
	[tilespmem:s1+$0x1A0] =	vst v0  }
0x14b: {  	[tilespmem:s1+$0x10] =	vst v1;
	v0 =	vld [tilespmem:s8+$0x1B0]  }
0x14c: {  	[tilespmem:s1+$0xFFFFFE10] =	vst v5;
	v1 =	vld [tilespmem:s8+$0xFFFFFF20]  }
0x14d: {  	v5 =	vld [tilespmem:s8+$0xFFFFFE20];
	[tilespmem:s1+$0x90] =	vst v2  }
0x14e: {  	v2 =	vld [tilespmem:s8+$0xFFFFFFA0];
	[tilespmem:s1+$0x110] =	vst v3  }
0x14f: {  	[tilespmem:s1+$0xFFFFFEA0] =	vst v4;
	v3 =	vld [tilespmem:s8+$0x20]  }
0x150: {  	v4 =	vld [tilespmem:s8+$0xA0];
	[tilespmem:s1+$0x1B0] =	vst v0  }
0x151: {  	[tilespmem:s1+$0xFFFFFF20] =	vst v1;
	v6 =	vld [tilespmem:s8+$0x120]  }
0x152: {  	[tilespmem:s1+$0xFFFFFE20] =	vst v5;
	v5 =	vld [tilespmem:s8+$0xFFFFFEB0]  }
0x153: {  	v7 =	vld [tilespmem:s8+$0xFFFFFE30];
	[tilespmem:s1+$0xFFFFFFA0] =	vst v2  }
.Ltmp3:
0x154: {  	v0 =	vld [tilespmem:s8+$0xFFFFFF30];
	[tilespmem:s1+$0x20] =	vst v3;
	(pc) =	sbr.rel @p0 .LBB2_9-.Ltmp3, $4  }
0x155: {  	v1 =	vld [tilespmem:s8+$0xFFFFFFB0];
	[tilespmem:s1+$0xA0] =	vst v4  }
0x156: {  	v2 =	vld [tilespmem:s8+$0x30];
	[tilespmem:s1+$0x120] =	vst v6  }
0x157: {  	[tilespmem:s1+$0xFFFFFEB0] =	vst v5;
	v3 =	vld [tilespmem:s8+$0xB0]  }
0x158: {  	[tilespmem:s1+$0xFFFFFE30] =	vst v7;
	v4 =	vld [tilespmem:s8+$0x130];
	s8 =	sadd.s32 $0x400, s8  }
0x159: {  	s31 =	sadd.s32 $0x1, s31  }
0x15a: {  	[tilespmem:s1+$0xFFFFFF30] =	vst v0;
	p0 =	sne.s32 s31, $0xC8  }
.Ltmp4:
0x15b: {  	[tilespmem:s1+$0xFFFFFFB0] =	vst v1;
	(pc) =	sbr.rel @p0 .LBB2_2-.Ltmp4, $4  }
0x15c: {  	s0 =	sadd.s32 s0, s12;
	[tilespmem:s1+$0x30] =	vst v2  }
0x15d: {  	s0 =	sshll.u32 s0, $0x4;
	[tilespmem:s1+$0xB0] =	vst v3  }
0x15e: {  	s0 =	sadd.s32 s7, s0;
	[tilespmem:s1+$0x130] =	vst v4  }
0x15f: {  	[hbm4b:s0+s2] =	stream.linear.scatter [tilespmem:s24], [sflag:$0x6], $0x4000, $0x38;
	[tilespmem:$0x18600] =	vst v63  }
0x160: {  	_ =	swait.ge [sflag:s26], $0x4000  }
0x161: {  	[sflag:s26] =	ssyncset.done $0x0  }
0x162: {  	[sflag:s26] =	ssyncadd.s32 $0xFFFFC000  }
0x163: {  	_ =	swait.ge [sflag:s29], $0x4000  }
0x164: {  	s30 =	sadd.s32 $0x1, s30;
	s0 =	rddreg [dreg:$0x3]  }
0x165: {  	p0 =	sne.s32 s30, s0  }
.Ltmp5:
0x166: {  	_ = 	snop;
	(pc) =	sbr.rel @p0 .LBB2_1-.Ltmp5, $3  }
0x167: {  	_ =	sdelay $0x1  }
0x168: {  	[sflag:s29] =	ssyncset.done $0x0  }
0x169: {  	[sflag:s29] =	ssyncadd.s32 $0xFFFFC000  }
0x16a: {  	_ =	sfence.sel $0x180000  }
0x16b: {  	[bflag:$0x0] =	sbarrier.arrive $0xFFFF  }
0x16c: {  	_ =	strace $0x90000047  }
0x16d: {  	s0 =	stileid.u32;
	[bflag:$0x2] =	sbarrier.arrive $0xFFFF  }
0x16e: {  	p0 =	sne.s32 s0, $0x0;
	s0 =	rddreg [dreg:$0x1]  }
0x16f: {  	s0 =	sadd.s32 @!p0 $0x100000, s0  }
0x170: {  	[sflag:s0] =	ssyncadd.tile.s32 @!p0 $0x1;
	_ =	shalt  }
.Lfunc_end2:
_tile_overlayer_lowered:
.L_overlay_start_2:
0x171: {  	(tag) =	ssettag $0x2  }
0x172: {  	s0 =	rddreg [dreg:$0x0];
	s2 =	stileid.u32  }
0x173: {  	s1 =	rddreg [dreg:$0x1];
	p0 =	sne.s32 s2, $0x0  }
0x174: {  	s3 =	rddreg [dreg:$0x2];
	[bflag:$0x3] =	sbarrier.arrive $0xFFFF;
	s2 =	simm.s32 @!p0 $0x1C0A  }
0x175: {  	[timem:s3], [sflag:s2] =	dma.local @!p0 [hbm:s0], s1  }
0x176: {  	s0 =	simm.s32 @!p0 $0xA  }
0x177: {  	_ =	swait.ge @!p0 [sflag:s0], s1  }
0x178: {  	s1 =	ssub.s32 @!p0 $0x0, s1;
	[sflag:s0] =	ssyncset.done @!p0 $0x0  }
0x179: {  	[sflag:s0] =	ssyncadd.s32 @!p0 s1  }
0x17a: {  	[bflag:$0x3] =	sbarrier.arrive $0xFFFF  }
0x17b: {  	_ =	shalt  }

// kernel: sparse-core-data-format-call.cloned.1.call-start
scs
called_computation_lowered:
.L_overlay_start_0:
0x0: {  	s2 =	sld [smem:$0x3FD9]  }
0x1: {  	s3 =	sld [smem:$0x3FFE];
	_ =	sdelay $0x1  }
0x2: {  	s1 =	srdreg.scid  }
0x3: {  	s0 =	sand.u32 $0x1, s1  }
0x4: {  	s18 =	sshll.u32 s0, $0xA;
	s2 =	sadd.s32 s3, s2  }
0x5: {  	s2 =	sadd.s32 s2, s18  }
0x6: {  	[smem:$0x3FC6] =	sst s2  }
0x7: {  	_ = 	snop  }
0x8: {  	s2 =	sld [smem:$0x3FD0];
	(tm) =	ssettm $0x1  }
0x9: {  	s19 =	sld [smem:$0x3FFB];
	_ =	sdelay $0x3  }
0xa: {  	_ =	strace s19  }
0xb: {  	s3 =	sld [smem:$0x3FFC];
	_ =	sdelay $0x3  }
0xc: {  	_ =	strace s3  }
0xd: {  	s3 =	sld [smem:$0x3FFD];
	_ =	sdelay $0x3  }
0xe: {  	_ =	strace s3  }
0xf: {  	_ =	strace $0x8FFFFFFF  }
0x10: {  	s20 =	sld [smem:$0x3FDB];
	_ =	sdelay $0x1  }
0x11: {  	s4 =	simm.s32 $_scs_section_size  }
0x12: {  	s5 =	simm.s32 $_size__tile_overlayer_lowered;
	s6 =	simm.s32 $_tile_overlayer_lowered  }
0x13: {  	s23 =	simm.s32 $0x1BFF;
	s22 =	sshll.u32 s6, $0x1;
	s3 =	sadd.s32 s4, s20  }
0x14: {  	s7 =	simm.s32 $0x0;
	s21 =	sshll.u32 s5, $0x1;
	s5 =	sadd.s32 s22, s3  }
0x15: {  	[timem:s7], [sflag:s23] =	dma.local [hbm:s5], s21  }
0x16: {  	_ =	swait.ge [sflag:s23], s21  }
0x17: {  	s4 =	ssub.s32 $0x0, s21;
	[sflag:s23] =	ssyncset.done $0x0  }
0x18: {  	[sflag:s23] =	ssyncadd.s32 s4;
	_ =	sdelay $0x1  }
0x19: {  	s24 =	simm.s32 $0x1B8B  }
0x1a: {  	_ =	swait.ge [sflag:s24], $0x1  }
0x1b: {  	[sflag:s24] =	ssyncset.done $0x0  }
0x1c: {  	s26 =	simm.s32 $0x1B8E;
	s25 =	sld [smem:$0x3FFE];
	[sflag:s24] =	ssyncadd.s32 $0xFFFFFFFF  }
0x1d: {  	s27 =	simm.s32 $execute0_lowered;
	[smem:$0x3FD2] =	sst s26  }
0x1e: {  	s5 =	sshll.u32 s27, $0x1;
	_ =	strace $0x80000049;
	[dreg:$0x1] =	wrdreg $0xFFFFFFFF  }
0x1f: {  	s28 =	simm.s32 $_size_execute0_lowered;
	s3 =	sadd.s32 s3, s5;
	[dreg:$0x0] =	wrdreg $0x0  }
0x20: {  	s5 =	sshll.u32 s28, $0x1;
	[dreg:$0x2] =	wrdreg s3  }
0x21: {  	[dreg:$0x3] =	wrdreg s5  }
0x22: {  	[dreg:$0x4] =	wrdreg $0xC0  }
0x23: {  	_ =	task [dreg:s7], $0x5FFFF  }
0x24: {  	[dreg:$0x1] =	wrdreg $0xFFFFFFFF  }
0x25: {  	[dreg:$0x0] =	wrdreg $0x60  }
0x26: {  	[dreg:$0x2] =	wrdreg s25  }
0x27: {  	[dreg:$0x3] =	wrdreg s2  }
0x28: {  	[dreg:$0x4] =	wrdreg $0x9  }
0x29: {  	_ =	task.clear_ibuf [dreg:s7], $0x5FFFF;
	_ =	strace $0x90000049  }
0x2a: {  	s29 =	simm.s32 $0x9;
	_ =	strace $0x8000004B  }
0x2b: {  	_ =	swait.ge [sflag:s29], $0x1  }
0x2c: {  	[sflag:s29] =	ssyncadd.s32 $0xFFFFFFFF  }
0x2d: {  	_ =	strace $0x9000004B  }
0x2e: {  	_ =	sfence  }
0x2f: {  	s30 =	sld [smem:$0x0];
	_ =	sdelay $0x2  }
0x30: {  	s31 =	sshll.u32 s1, $0xD;
	s1 =	sshrl.u32 s1, $0x2  }
0x31: {  	s3 =	sand.u32 $0x4000, s31;
	s1 =	sadd.s32 s1, s30  }
0x32: {  	s0 =	sor.u32 s3, s0;
	s1 =	sshll.u32 s1, $0x11  }
0x33: {  	s0 =	sor.u32 s1, s0  }
0x34: {  	s0 =	sadd.s32 $0x8F2B, s0  }
0x35: {  	[sflag:s0] =	ssyncadd.remote.s32 $0x1  }
0x36: {  	_ =	sfence.sel $0xFFFF  }
0x37: {  	[dreg:$0x0] =	wrdreg $0xFFFFFFFF;
	(pc) =	sbr.abs _section_cstart, $3  }
0x38: {  	[dreg:$0x1] =	wrdreg $0xFFFFFFFF  }
0x39: {  	_ =	task.clear_ibuf [dreg:s7], $0x2FFFF;
	_ =	strace $0x9FFFFFFF  }
0x3a: {  	(tm) =	ssettm $0x7FFFFFFF  }
0x3b: {  	_ =	shalt  }
tec
execute0_lowered:
.L_overlay_start_1:
0x0: {  	(tag) =	ssettag $0x1  }
0x1: {  	s0 =	srdreg.scid  }
0x2: {  	s1 =	sshll.u32 s0, $0x4  }
0x3: {  	s0 =	stileid.u32;
	s1 =	sand.u32 $0x10, s1  }
0x4: {  	s1 =	sor.u32 s0, s1  }
0x5: {  	s6 =	rddreg [dreg:$0x0];
	s4 =	simm.s32 $0x1;
	s2 =	sshll.u32 s1, $0x7  }
0x6: {  	s7 =	simm.s32 $0x2;
	s12 =	simm.s32 $0x0;
	s1 =	ssub.s32 $0x4000, s2  }
0x7: {  	s8 =	simm.s32 $0x20000;
	s13 =	simm.s32 $0x0;
	s3 =	sand.u32 $0xF80, s1  }
0x8: {  	s9 =	simm.s32 $0x0;
	s5 =	sshrl.u32 s1, $0xC;
	p0 =	sne.s32 s3, $0x0  }
.Ltmp0:
0x9: {  	s1 =	rddreg [dreg:$0x2];
	s4 =	simm.s32 @!p0 $0x0;
	(pc) =	sbr.rel .LBB1_1-.Ltmp0, $4  }
0xa: {  	s11 =	simm.s32 $0x0;
	s3 =	rddreg [dreg:$0x1];
	s5 =	sadd.s32 s4, s5  }
0xb: {  	_ =	strace $0x8000004A;
	s4 =	simm.s32 $0x1;
	s5 =	smul.u32 $0xC8, s5  }
0xc: {  	s6 =	sadd.s32 $0x13FA00, s6;
	s10 =	smov.u32 s2;
	[sflag:s4] =	ssyncpa.u1 $0x0  }
0xd: {  	p0 =	por $0x0, $0x0;
	[sflag:s7] =	ssyncpa.u1 $0x0;
	s7 =	sor.u32 $0x1, s5  }
.LBB1_4:
0xe: {  	s16 =	sshll.u32 s13, $0x3;
	s17 =	sand.u32 $0x78, s13  }
0xf: {  	s30 =	sand.u32 $0x1F800, s13;
	s12 =	sshll.u32 s12, $0x11;
	s16 =	sand.u32 $0x3C00, s16  }
0x10: {  	[tilespmem:s15+$0x810 ss:$0x81] =	vst.msk $0xffff, v2;
	s31 =	sand.u32 $0x7, s13;
	s16 =	sor.u32 s17, s16;
	s17 =	sadd.s32 s3, s30  }
0x11: {  	[tilespmem:s15+$0x1020 ss:$0x81] =	vst.msk $0xffff, v0;
	s13 =	sshll.u32 s31, $0x12;
	s12 =	sadd.s32 s12, s17;
	s16 =	sshrl.u32 s16, $0x3  }
0x12: {  	[tilespmem:s15+$0x0 ss:$0x81] =	vst.msk $0xffff, v1;
	s13 =	sor.u32 $0x400, s13;
	s12 =	sadd.s32 s16, s12  }
0x13: {  	[hbm4b:s12+s13] =	stream.strided.scatter [tilespmem:s14], [sflag:$0x2], $0x2000, s8, s13, $0x20;
	[tilespmem:$0x8080] =	vst v63  }
.LBB1_5:
0x14: {  	s14 =	sadd.s32 $0x1, s9  }
0x15: {  	s12 =	sadd.s32 $0x1000, s10;
	s16 =	smov.u32 s10;
	p2 =	sgt.s32 s14, $0xC7  }
0x16: {  	s16 =	smov.u32 @p2 s12  }
0x17: {  	s14 =	simm.s32 @p2 $0x0;
	p2 =	sgt.s32 s16, $0x3FFF  }
0x18: {  	s16 =	smov.u32 @p2 s2;
	p2 =	sne.s32 s11, s7  }
.Ltmp1:
0x19: {  	p1 =	slt.u32 s11, $0x2;
	(pc) =	sbr.rel @!p2 .LBB1_6-.Ltmp1, $4  }
0x1a: {  	s15 =	simm.s32 @!p1 $0x2  }
0x1b: {  	s13 =	smov.u32 s10;
	p0 =	por !p0, !p0;
	_ =	swait.ge @!p1 [sflag:s15], $0x2000  }
0x1c: {  	s12 =	smov.u32 s9;
	[sflag:s15] =	ssyncset.done @!p1 $0x0;
	s9 =	smov.u32 s14  }
0x1d: {  	s11 =	sadd.s32 $0x1, s11;
	[sflag:s15] =	ssyncadd.s32 @!p1 $0xFFFFE000;
	s10 =	smov.u32 s16  }
.LBB1_1:
0x1e: {  	p1 =	sge.u32 s11, s5  }
0x1f: {  	s14 =	sand.u32 @!p1 $0x1FFFFFF, s9  }
0x20: {  	s15 =	smulhi.u32 @!p1 $0x147AE15, s14;
	_ =	sdelay $0x1  }
0x21: {  	s15 =	smul.u32 @!p1 $0xC8, s15  }
0x22: {  	s16 =	sxor.u32 @!p1 $0xFFFFFFFF, s11;
	s17 =	smul.u32 @!p1 $0xC80, s10  }
0x23: {  	s31 =	sadd.s32 $0xFFFFFFFF, s11;
	s16 =	sshll.u32 @!p1 s16, $0xD;
	s14 =	ssub.s32 @!p1 s14, s15  }
0x24: {  	s15 =	sand.u32 @!p1 $0x2000, s16;
	s16 =	sadd.s32 @!p1 s6, s17;
	s14 =	sshll.u32 @!p1 s14, $0x4  }
0x25: {  	s17 =	simm.s32 @!p1 $0x6400;
	s14 =	sadd.s32 @!p1 s14, s16;
	s16 =	simm.s32 @!p1 $0x40  }
0x26: {  	[tilespmem:s15], [sflag:$0x1] =	stream.strided.gather @!p1 [hbm4b:s14+s16], $0x2000, s17, s16, $0x38;
	[tilespmem:$0x8080] =	vst v63  }
0x27: {  	p1 =	sge.u32 s31, s5  }
.Ltmp2:
0x28: {  	_ = 	snop;
	(pc) =	sbr.rel @p1 .LBB1_5-.Ltmp2, $1  }
0x29: {  	_ =	sdelay $0x3  }
0x2a: {  	s14 =	simm.s32 $0x1  }
0x2b: {  	_ =	swait.ge [sflag:s4], $0x2000;
	s14 =	simm.s32 @!p0 $0x0  }
0x2c: {  	[sflag:s4] =	ssyncset.done $0x0;
	s15 =	sshll.u32 s14, $0xD  }
0x2d: {  	[sflag:s4] =	ssyncadd.s32 $0xFFFFE000;
	s18 =	sor.u32 $0x20, s15  }
0x2e: {  	s14 =	smul.u32 $0x8100, s14;
	v3 =	vld [tilespmem:s18+$0x10]  }
0x2f: {  	s30 =	sand.u32 $0x1, s11;
	v2 =	vld [tilespmem:s18+$0xFFFFFFF0]  }
0x30: {  	s15 =	smul.u32 $0x8100, s30;
	s14 =	sshrl.u32 s14, $0x2;
	v0 =	vld [tilespmem:s18+$0x0]  }
0x31: {  	v1 =	vld [tilespmem:s18+$0xFFFFFFE0];
	s16 =	sor.u32 $0x4000, s14  }
0x32: {  	s31 =	sshrl.u32 s15, $0x2;
	s15 =	sadd.s32 $0x0, s16  }
0x33: {  	s17 =	simm.s32 $0x4;
	s18 =	sadd.s32 $0x40, s18;
	s14 =	sor.u32 $0x4000, s31;
	[tilespmem:s15+$0x1830 ss:$0x81] =	vst.msk $0xffff, v3  }
.LBB1_3:
0x34: {  	v3 =	vld [tilespmem:s18+$0x10];
	p1 =	sne.s32 s17, $0x1FC;
	[tilespmem:s15+$0x810 ss:$0x81] =	vst.msk $0xffff, v2;
	s19 =	smov.u32 s17;
	s17 =	sadd.s32 $0x4, s17  }
.Ltmp3:
0x35: {  	v2 =	vld [tilespmem:s18+$0xFFFFFFF0];
	[tilespmem:s15+$0x1020 ss:$0x81] =	vst.msk $0xffff, v0;
	(pc) =	sbr.rel @p1 .LBB1_3-.Ltmp3, $4  }
0x36: {  	v0 =	vld [tilespmem:s18+$0x0];
	[tilespmem:s15+$0x0 ss:$0x81] =	vst.msk $0xffff, v1  }
0x37: {  	s15 =	sshra.s32 s19, $0x2;
	v1 =	vld [tilespmem:s18+$0xFFFFFFE0]  }
0x38: {  	s15 =	sadd.s32 s15, s16  }
0x39: {  	s18 =	sadd.s32 $0x40, s18;
	[tilespmem:s15+$0x1830 ss:$0x81] =	vst.msk $0xffff, v3  }
.Ltmp4:
0x3a: {  	_ = 	snop;
	(pc) =	sbr.rel .LBB1_4-.Ltmp4, $1  }
0x3b: {  	_ =	sdelay $0x3  }
.LBB1_6:
0x3c: {  	_ =	sfence.sel $0x180000  }
0x3d: {  	s2 =	simm.s32 $0x1;
	[bflag:$0x0] =	sbarrier.arrive $0xFFFF  }
0x3e: {  	s31 =	simm.s32 $0x2;
	[sflag:s2] =	ssyncpa.u1 $0x1  }
0x3f: {  	[sflag:s31] =	ssyncpa.u1 $0x1  }
0x40: {  	p0 =	sne.s32 s0, $0x0;
	_ =	strace $0x9000004A  }
0x41: {  	s0 =	sadd.s32 @!p0 $0x100000, s1;
	[bflag:$0x2] =	sbarrier.arrive $0xFFFF  }
0x42: {  	[sflag:s0] =	ssyncadd.tile.s32 @!p0 $0x1;
	_ =	shalt  }
.Lfunc_end1:
_tile_overlayer_lowered:
.L_overlay_start_2:
0x43: {  	(tag) =	ssettag $0x2  }
0x44: {  	s0 =	rddreg [dreg:$0x0];
	s2 =	stileid.u32  }
0x45: {  	s1 =	rddreg [dreg:$0x1];
	p0 =	sne.s32 s2, $0x0  }
0x46: {  	s3 =	rddreg [dreg:$0x2];
	[bflag:$0x3] =	sbarrier.arrive $0xFFFF;
	s2 =	simm.s32 @!p0 $0x1C01  }
0x47: {  	[timem:s3], [sflag:s2] =	dma.local @!p0 [hbm:s0], s1  }
0x48: {  	s0 =	simm.s32 @!p0 $0x1  }
0x49: {  	_ =	swait.ge @!p0 [sflag:s0], s1  }
0x4a: {  	s1 =	ssub.s32 @!p0 $0x0, s1;
	[sflag:s0] =	ssyncset.done @!p0 $0x0  }
0x4b: {  	[sflag:s0] =	ssyncadd.s32 @!p0 s1  }
0x4c: {  	[bflag:$0x3] =	sbarrier.arrive $0xFFFF  }
0x4d: {  	_ =	shalt  }

</sc_bundles>
